<compile_context>
chip_gen: v7x
topology: tpu7x:2x2x1
jax: 0.10.2.dev20260603
libtpu: 0.0.44.dev20260713+nightly
codegen_flags: <defaults>
</compile_context>

<pallas_src>
import functools

import jax
import jax.numpy as jnp
from jax import lax
from jax.experimental import pallas as pl
from jax.experimental.pallas import tpu as pltpu
from jax.experimental.pallas import tpu_sc as plsc

_NC, _NS, _L = 2, 16, 16
_NW = _NC * _NS
_C = 16


def _log2(n):
    b = n.bit_length() - 1
    assert (1 << b) == n
    return b


def _make_sc_kernel(B, dec, enc):
    rows = B * dec
    rpw = rows // _NW
    n_chunks = rpw // _C
    dec_shift, dec_mask = _log2(dec), dec - 1
    mesh = plsc.VectorSubcoreMesh(core_axis_name="c", subcore_axis_name="s")

    @functools.partial(
        pl.kernel,
        out_type=jax.ShapeDtypeStruct((B, dec, enc), jnp.float32),
        mesh=mesh,
        compiler_params=pltpu.CompilerParams(
            needs_layout_passes=False,
            disable_bounds_checks=True,
        ),
        scratch_types=[
            pltpu.VMEM((_C, enc), jnp.float32),
            pltpu.VMEM((_C, enc), jnp.float32),
            pltpu.VMEM((B, rpw), jnp.int32),
            pltpu.SemaphoreType.DMA,
            pltpu.SemaphoreType.DMA,
        ],
    )
    def sc_kernel(idx_hbm, out_hbm, tmpl_a, tmpl_b, idx_v, sem_a, sem_b):
        wid = lax.axis_index("c") * _NS + lax.axis_index("s")
        row_base = wid * rpw
        b = lax.shift_right_logical(row_base, dec_shift)
        d0 = pl.multiple_of(lax.bitwise_and(row_base, dec_mask), rpw)

        ninf = jnp.full((_L,), -jnp.inf, jnp.float32)
        one = jnp.full((_L,), 1.0, jnp.float32)
        rowiota = lax.iota(jnp.int32, _L)

        idx_copy = pltpu.async_copy(
            idx_hbm.at[pl.ds(0, B), pl.ds(d0, rpw)], idx_v, sem_b
        )

        def fill(t):
            def body(r, carry):
                for u in range(enc // _L):
                    t[r, pl.ds(u * _L, _L)] = ninf
                return carry

            lax.fori_loop(0, _C, body, 0)

        def dst_of(k):
            return out_hbm.at[b, pl.ds(d0 + k * _C, _C)]

        fill(tmpl_a)
        idx_copy.wait()
        plsc.store_scatter(tmpl_a, [rowiota, idx_v[b, pl.ds(0, _L)]], one)
        copies = [None] * n_chunks
        copies[0] = pltpu.async_copy(tmpl_a, dst_of(0), sem_a)
        fill(tmpl_b)

        bufs = (tmpl_a, tmpl_b)
        sems = (sem_a, sem_b)
        for k in range(1, n_chunks):
            t, sem = bufs[k % 2], sems[k % 2]
            if k >= 2:
                copies[k - 2].wait()
                oldcol = idx_v[b, pl.ds((k - 2) * _C, _L)]
                plsc.store_scatter(t, [rowiota, oldcol], ninf)
            col = idx_v[b, pl.ds(k * _C, _L)]
            plsc.store_scatter(t, [rowiota, col], one)
            copies[k] = pltpu.async_copy(t, dst_of(k), sem)
        copies[n_chunks - 2].wait()
        copies[n_chunks - 1].wait()

    return sc_kernel


def kernel(decoder_states, encoder_states, step, input_lengths, provided_attention):
    B, dec_seqlen = provided_attention.shape
    enc_seqlen = encoder_states.shape[1]
    idx = jnp.asarray(provided_attention, jnp.int32)
    return _make_sc_kernel(B, dec_seqlen, enc_seqlen)(idx)

# --- scband reference (transcript-rebuilt; emitter-appended) ---
"""Pipeline reference for scband-provided-18915035972304 (READ-ONLY COPY).

The authoritative reference and input builder live on the scoring server;
editing this copy changes nothing except your own understanding.
"""

import jax, jax.numpy as jnp
import numpy as np


def setup_inputs(seed: int = 0) -> dict:
    key = jax.random.key(seed)
    k1, k2, k3, k4 = jax.random.split(key, 4)
    B, dec_seqlen, enc_seqlen, hl = 4, 2048, 2048, 1024
    decoder_states = jax.random.normal(k1, (B, dec_seqlen, hl), dtype=jnp.float32)
    encoder_states = jax.random.normal(k2, (B, enc_seqlen, hl), dtype=jnp.float32)
    input_lengths = jax.random.randint(k3, (B,), 1, enc_seqlen + 1)
    provided_attention = jax.random.randint(k4, (B, dec_seqlen), 0, enc_seqlen)
    return {
        "decoder_states": decoder_states,
        "encoder_states": encoder_states,
        "step": -1,
        "input_lengths": input_lengths,
        "provided_attention": provided_attention,
    }


def reference(decoder_states, encoder_states, step, input_lengths, provided_attention):
    B, enc_seqlen, _ = encoder_states.shape
    _, dec_seqlen, _ = decoder_states.shape
    input_lengths = jnp.asarray(input_lengths)
    last_encoder_state_indices = input_lengths - 1
    max_provided_attention_length = provided_attention.shape[1]
    step = jnp.asarray(step)
    attention_indices = provided_attention + (step + 1) * 0
    if dec_seqlen > max_provided_attention_length:
        filler = -jnp.ones((B, dec_seqlen - max_provided_attention_length), dtype=provided_attention.dtype)
        attention_indices = jnp.concatenate([attention_indices, filler], axis=1)
        no_attn_mask = attention_indices == -1
        last_exp = jnp.broadcast_to(last_encoder_state_indices[:, None], (B, dec_seqlen))
        attention_indices = jnp.where(no_attn_mask, last_exp, attention_indices)
    attention_indices = attention_indices[:, :, None]
    # scatter value=1 along dim=2 into a (-inf)-filled (B, dec_seqlen, enc_seqlen) tensor
    attention_scores = jnp.full((B, dec_seqlen, enc_seqlen), -jnp.inf, dtype=jnp.float32)
    n_rows = attention_indices.shape[1]
    b_idx = jnp.arange(B)[:, None, None]
    d_idx = jnp.arange(n_rows)[None, :, None]
    attention_scores = attention_scores.at[b_idx, d_idx, attention_indices].set(1.0)
    return attention_scores

if __name__ == "__main__":
    import jax
    _d = setup_inputs()
    print(jax.jit(kernel)(*tuple(_d.values())))

</pallas_src>

<mosaic_0001>
#map = affine_map<(d0, d1) -> (0, 0)>
#map1 = affine_map<(d0, d1) -> (0, 0, 0)>
module attributes {stable_mosaic.version = 14 : i64} {
  func.func @sc_kernel(%arg0: i32, %arg1: i32, %arg2: memref<4x2048xi32, #tpu.memory_space<hbm>>, %arg3: memref<4x2048x2048xf32, #tpu.memory_space<hbm>>, %arg4: memref<16x2048xf32, #tpu.memory_space<vmem>>, %arg5: memref<16x2048xf32, #tpu.memory_space<vmem>>, %arg6: memref<4x256xi32, #tpu.memory_space<vmem>>, %arg7: memref<!tpu.dma_semaphore, #tpu.memory_space<semaphore_mem>>, %arg8: memref<!tpu.dma_semaphore, #tpu.memory_space<semaphore_mem>>) attributes {dimension_semantics = [#tpu.dimension_semantics<core_parallel>, #tpu.dimension_semantics<subcore_parallel>], iteration_bounds = array<i64: 2, 16>, scalar_prefetch = 0 : i64, scratch_operands = 5 : i64, tpu.core_type = #tpu.core_type<sc_vector_subcore>, window_params = [{transform_indices = #map}, {transform_indices = #map1}]} {
    %mul3A = arith.constant 16 : i32
    %mul3A_0 = arith.muli %arg0, %mul3A : i32
    %add3A = arith.addi %mul3A_0, %arg1 : i32
    %mul3A_1 = arith.constant 256 : i32
    %mul3A_2 = arith.muli %add3A, %mul3A_1 : i32
    %shift_right_logical3A = arith.constant 11 : i32
    %shift_right_logical3A_3 = arith.shrui %mul3A_2, %shift_right_logical3A : i32
    %and3A = arith.constant 2047 : i32
    %and3A_4 = arith.andi %mul3A_2, %and3A : i32
    %multiple_of3A = tpu.assume_multiple %and3A_4, 256 : i32
    %broadcast_in_dim3A = arith.constant 0xFF800000 : f32
    %broadcast_in_dim3A_5 = vector.broadcast %broadcast_in_dim3A : f32 to vector<16xf32>
    %broadcast_in_dim3A_6 = arith.constant 1.000000e+00 : f32
    %broadcast_in_dim3A_7 = vector.broadcast %broadcast_in_dim3A_6 : f32 to vector<16xf32>
    %iota3A = tpu.iota {dimensions = array<i32: 0>} : vector<16xi32>
    %dma_start3A = arith.constant 0 : i32
    %dma_start3A_8 = tpu.memref_slice %arg2[%dma_start3A, %multiple_of3A] : memref<4x2048xi32, #tpu.memory_space<hbm>> -> memref<4x256xi32, #tpu.memory_space<hbm>>
    %dma_start3A_9 = arith.constant 0 : i32
    %dma_start3A_10 = tpu.memref_slice %arg2[%dma_start3A_9, %multiple_of3A] : memref<4x2048xi32, #tpu.memory_space<hbm>> -> memref<4x256xi32, #tpu.memory_space<hbm>>
    tpu.enqueue_dma source(%dma_start3A_10 : memref<4x256xi32, #tpu.memory_space<hbm>>) target(%arg6 : memref<4x256xi32, #tpu.memory_space<vmem>>) target_semaphore(%arg8 : memref<!tpu.dma_semaphore, #tpu.memory_space<semaphore_mem>>)
    %scan3A = arith.constant 0 : i32
    %scan3A_11 = arith.constant 0 : i32
    %scan3A_12 = arith.constant 16 : i32
    %scan3A_13 = arith.addi %scan3A_11, %scan3A_12 : i32
    %scan3A_14 = arith.constant 1 : i32
    scf.for %scan3A_338 = %scan3A_11 to %scan3A_13 step %scan3A_14  : i32 {
      %swap3A = arith.index_cast %scan3A_338 : i32 to index
      %swap3A_339 = arith.constant 0 : index
      %swap3A_340 = tpu.vector_load %arg4[%swap3A, %swap3A_339] {strides = array<i32>} : memref<16x2048xf32, #tpu.memory_space<vmem>>, vector<16xf32>,
      tpu.vector_store %arg4[%swap3A, %swap3A_339], %broadcast_in_dim3A_5 {strides = array<i32>} : memref<16x2048xf32, #tpu.memory_space<vmem>>, vector<16xf32>,
      %swap3A_341 = arith.index_cast %scan3A_338 : i32 to index
      %swap3A_342 = arith.constant 16 : index
      %swap3A_343 = tpu.vector_load %arg4[%swap3A_341, %swap3A_342] {strides = array<i32>} : memref<16x2048xf32, #tpu.memory_space<vmem>>, vector<16xf32>,
      tpu.vector_store %arg4[%swap3A_341, %swap3A_342], %broadcast_in_dim3A_5 {strides = array<i32>} : memref<16x2048xf32, #tpu.memory_space<vmem>>, vector<16xf32>,
      %swap3A_344 = arith.index_cast %scan3A_338 : i32 to index
      %swap3A_345 = arith.constant 32 : index
      %swap3A_346 = tpu.vector_load %arg4[%swap3A_344, %swap3A_345] {strides = array<i32>} : memref<16x2048xf32, #tpu.memory_space<vmem>>, vector<16xf32>,
      tpu.vector_store %arg4[%swap3A_344, %swap3A_345], %broadcast_in_dim3A_5 {strides = array<i32>} : memref<16x2048xf32, #tpu.memory_space<vmem>>, vector<16xf32>,
      %swap3A_347 = arith.index_cast %scan3A_338 : i32 to index
      %swap3A_348 = arith.constant 48 : index
      %swap3A_349 = tpu.vector_load %arg4[%swap3A_347, %swap3A_348] {strides = array<i32>} : memref<16x2048xf32, #tpu.memory_space<vmem>>, vector<16xf32>,
      tpu.vector_store %arg4[%swap3A_347, %swap3A_348], %broadcast_in_dim3A_5 {strides = array<i32>} : memref<16x2048xf32, #tpu.memory_space<vmem>>, vector<16xf32>,
      %swap3A_350 = arith.index_cast %scan3A_338 : i32 to index
      %swap3A_351 = arith.constant 64 : index
      %swap3A_352 = tpu.vector_load %arg4[%swap3A_350, %swap3A_351] {strides = array<i32>} : memref<16x2048xf32, #tpu.memory_space<vmem>>, vector<16xf32>,
      tpu.vector_store %arg4[%swap3A_350, %swap3A_351], %broadcast_in_dim3A_5 {strides = array<i32>} : memref<16x2048xf32, #tpu.memory_space<vmem>>, vector<16xf32>,
      %swap3A_353 = arith.index_cast %scan3A_338 : i32 to index
      %swap3A_354 = arith.constant 80 : index
      %swap3A_355 = tpu.vector_load %arg4[%swap3A_353, %swap3A_354] {strides = array<i32>} : memref<16x2048xf32, #tpu.memory_space<vmem>>, vector<16xf32>,
      tpu.vector_store %arg4[%swap3A_353, %swap3A_354], %broadcast_in_dim3A_5 {strides = array<i32>} : memref<16x2048xf32, #tpu.memory_space<vmem>>, vector<16xf32>,
      %swap3A_356 = arith.index_cast %scan3A_338 : i32 to index
      %swap3A_357 = arith.constant 96 : index
      %swap3A_358 = tpu.vector_load %arg4[%swap3A_356, %swap3A_357] {strides = array<i32>} : memref<16x2048xf32, #tpu.memory_space<vmem>>, vector<16xf32>,
      tpu.vector_store %arg4[%swap3A_356, %swap3A_357], %broadcast_in_dim3A_5 {strides = array<i32>} : memref<16x2048xf32, #tpu.memory_space<vmem>>, vector<16xf32>,
      %swap3A_359 = arith.index_cast %scan3A_338 : i32 to index
      %swap3A_360 = arith.constant 112 : index
      %swap3A_361 = tpu.vector_load %arg4[%swap3A_359, %swap3A_360] {strides = array<i32>} : memref<16x2048xf32, #tpu.memory_space<vmem>>, vector<16xf32>,
      tpu.vector_store %arg4[%swap3A_359, %swap3A_360], %broadcast_in_dim3A_5 {strides = array<i32>} : memref<16x2048xf32, #tpu.memory_space<vmem>>, vector<16xf32>,
      %swap3A_362 = arith.index_cast %scan3A_338 : i32 to index
      %swap3A_363 = arith.constant 128 : index
      %swap3A_364 = tpu.vector_load %arg4[%swap3A_362, %swap3A_363] {strides = array<i32>} : memref<16x2048xf32, #tpu.memory_space<vmem>>, vector<16xf32>,
      tpu.vector_store %arg4[%swap3A_362, %swap3A_363], %broadcast_in_dim3A_5 {strides = array<i32>} : memref<16x2048xf32, #tpu.memory_space<vmem>>, vector<16xf32>,
      %swap3A_365 = arith.index_cast %scan3A_338 : i32 to index
      %swap3A_366 = arith.constant 144 : index
      %swap3A_367 = tpu.vector_load %arg4[%swap3A_365, %swap3A_366] {strides = array<i32>} : memref<16x2048xf32, #tpu.memory_space<vmem>>, vector<16xf32>,
      tpu.vector_store %arg4[%swap3A_365, %swap3A_366], %broadcast_in_dim3A_5 {strides = array<i32>} : memref<16x2048xf32, #tpu.memory_space<vmem>>, vector<16xf32>,
      %swap3A_368 = arith.index_cast %scan3A_338 : i32 to index
      %swap3A_369 = arith.constant 160 : index
      %swap3A_370 = tpu.vector_load %arg4[%swap3A_368, %swap3A_369] {strides = array<i32>} : memref<16x2048xf32, #tpu.memory_space<vmem>>, vector<16xf32>,
      tpu.vector_store %arg4[%swap3A_368, %swap3A_369], %broadcast_in_dim3A_5 {strides = array<i32>} : memref<16x2048xf32, #tpu.memory_space<vmem>>, vector<16xf32>,
      %swap3A_371 = arith.index_cast %scan3A_338 : i32 to index
      %swap3A_372 = arith.constant 176 : index
      %swap3A_373 = tpu.vector_load %arg4[%swap3A_371, %swap3A_372] {strides = array<i32>} : memref<16x2048xf32, #tpu.memory_space<vmem>>, vector<16xf32>,
      tpu.vector_store %arg4[%swap3A_371, %swap3A_372], %broadcast_in_dim3A_5 {strides = array<i32>} : memref<16x2048xf32, #tpu.memory_space<vmem>>, vector<16xf32>,
      %swap3A_374 = arith.index_cast %scan3A_338 : i32 to index
      %swap3A_375 = arith.constant 192 : index
      %swap3A_376 = tpu.vector_load %arg4[%swap3A_374, %swap3A_375] {strides = array<i32>} : memref<16x2048xf32, #tpu.memory_space<vmem>>, vector<16xf32>,
      tpu.vector_store %arg4[%swap3A_374, %swap3A_375], %broadcast_in_dim3A_5 {strides = array<i32>} : memref<16x2048xf32, #tpu.memory_space<vmem>>, vector<16xf32>,
      %swap3A_377 = arith.index_cast %scan3A_338 : i32 to index
      %swap3A_378 = arith.constant 208 : index
      %swap3A_379 = tpu.vector_load %arg4[%swap3A_377, %swap3A_378] {strides = array<i32>} : memref<16x2048xf32, #tpu.memory_space<vmem>>, vector<16xf32>,
      tpu.vector_store %arg4[%swap3A_377, %swap3A_378], %broadcast_in_dim3A_5 {strides = array<i32>} : memref<16x2048xf32, #tpu.memory_space<vmem>>, vector<16xf32>,
      %swap3A_380 = arith.index_cast %scan3A_338 : i32 to index
      %swap3A_381 = arith.constant 224 : index
      %swap3A_382 = tpu.vector_load %arg4[%swap3A_380, %swap3A_381] {strides = array<i32>} : memref<16x2048xf32, #tpu.memory_space<vmem>>, vector<16xf32>,
      tpu.vector_store %arg4[%swap3A_380, %swap3A_381], %broadcast_in_dim3A_5 {strides = array<i32>} : memref<16x2048xf32, #tpu.memory_space<vmem>>, vector<16xf32>,
      %swap3A_383 = arith.index_cast %scan3A_338 : i32 to index
      %swap3A_384 = arith.constant 240 : index
      %swap3A_385 = tpu.vector_load %arg4[%swap3A_383, %swap3A_384] {strides = array<i32>} : memref<16x2048xf32, #tpu.memory_space<vmem>>, vector<16xf32>,
      tpu.vector_store %arg4[%swap3A_383, %swap3A_384], %broadcast_in_dim3A_5 {strides = array<i32>} : memref<16x2048xf32, #tpu.memory_space<vmem>>, vector<16xf32>,
      %swap3A_386 = arith.index_cast %scan3A_338 : i32 to index
      %swap3A_387 = arith.constant 256 : index
      %swap3A_388 = tpu.vector_load %arg4[%swap3A_386, %swap3A_387] {strides = array<i32>} : memref<16x2048xf32, #tpu.memory_space<vmem>>, vector<16xf32>,
      tpu.vector_store %arg4[%swap3A_386, %swap3A_387], %broadcast_in_dim3A_5 {strides = array<i32>} : memref<16x2048xf32, #tpu.memory_space<vmem>>, vector<16xf32>,
      %swap3A_389 = arith.index_cast %scan3A_338 : i32 to index
      %swap3A_390 = arith.constant 272 : index
      %swap3A_391 = tpu.vector_load %arg4[%swap3A_389, %swap3A_390] {strides = array<i32>} : memref<16x2048xf32, #tpu.memory_space<vmem>>, vector<16xf32>,
      tpu.vector_store %arg4[%swap3A_389, %swap3A_390], %broadcast_in_dim3A_5 {strides = array<i32>} : memref<16x2048xf32, #tpu.memory_space<vmem>>, vector<16xf32>,
      %swap3A_392 = arith.index_cast %scan3A_338 : i32 to index
      %swap3A_393 = arith.constant 288 : index
      %swap3A_394 = tpu.vector_load %arg4[%swap3A_392, %swap3A_393] {strides = array<i32>} : memref<16x2048xf32, #tpu.memory_space<vmem>>, vector<16xf32>,
      tpu.vector_store %arg4[%swap3A_392, %swap3A_393], %broadcast_in_dim3A_5 {strides = array<i32>} : memref<16x2048xf32, #tpu.memory_space<vmem>>, vector<16xf32>,
      %swap3A_395 = arith.index_cast %scan3A_338 : i32 to index
      %swap3A_396 = arith.constant 304 : index
      %swap3A_397 = tpu.vector_load %arg4[%swap3A_395, %swap3A_396] {strides = array<i32>} : memref<16x2048xf32, #tpu.memory_space<vmem>>, vector<16xf32>,
      tpu.vector_store %arg4[%swap3A_395, %swap3A_396], %broadcast_in_dim3A_5 {strides = array<i32>} : memref<16x2048xf32, #tpu.memory_space<vmem>>, vector<16xf32>,
      %swap3A_398 = arith.index_cast %scan3A_338 : i32 to index
      %swap3A_399 = arith.constant 320 : index
      %swap3A_400 = tpu.vector_load %arg4[%swap3A_398, %swap3A_399] {strides = array<i32>} : memref<16x2048xf32, #tpu.memory_space<vmem>>, vector<16xf32>,
      tpu.vector_store %arg4[%swap3A_398, %swap3A_399], %broadcast_in_dim3A_5 {strides = array<i32>} : memref<16x2048xf32, #tpu.memory_space<vmem>>, vector<16xf32>,
      %swap3A_401 = arith.index_cast %scan3A_338 : i32 to index
      %swap3A_402 = arith.constant 336 : index
      %swap3A_403 = tpu.vector_load %arg4[%swap3A_401, %swap3A_402] {strides = array<i32>} : memref<16x2048xf32, #tpu.memory_space<vmem>>, vector<16xf32>,
      tpu.vector_store %arg4[%swap3A_401, %swap3A_402], %broadcast_in_dim3A_5 {strides = array<i32>} : memref<16x2048xf32, #tpu.memory_space<vmem>>, vector<16xf32>,
      %swap3A_404 = arith.index_cast %scan3A_338 : i32 to index
      %swap3A_405 = arith.constant 352 : index
      %swap3A_406 = tpu.vector_load %arg4[%swap3A_404, %swap3A_405] {strides = array<i32>} : memref<16x2048xf32, #tpu.memory_space<vmem>>, vector<16xf32>,
      tpu.vector_store %arg4[%swap3A_404, %swap3A_405], %broadcast_in_dim3A_5 {strides = array<i32>} : memref<16x2048xf32, #tpu.memory_space<vmem>>, vector<16xf32>,
      %swap3A_407 = arith.index_cast %scan3A_338 : i32 to index
      %swap3A_408 = arith.constant 368 : index
      %swap3A_409 = tpu.vector_load %arg4[%swap3A_407, %swap3A_408] {strides = array<i32>} : memref<16x2048xf32, #tpu.memory_space<vmem>>, vector<16xf32>,
      tpu.vector_store %arg4[%swap3A_407, %swap3A_408], %broadcast_in_dim3A_5 {strides = array<i32>} : memref<16x2048xf32, #tpu.memory_space<vmem>>, vector<16xf32>,
      %swap3A_410 = arith.index_cast %scan3A_338 : i32 to index
      %swap3A_411 = arith.constant 384 : index
      %swap3A_412 = tpu.vector_load %arg4[%swap3A_410, %swap3A_411] {strides = array<i32>} : memref<16x2048xf32, #tpu.memory_space<vmem>>, vector<16xf32>,
      tpu.vector_store %arg4[%swap3A_410, %swap3A_411], %broadcast_in_dim3A_5 {strides = array<i32>} : memref<16x2048xf32, #tpu.memory_space<vmem>>, vector<16xf32>,
      %swap3A_413 = arith.index_cast %scan3A_338 : i32 to index
      %swap3A_414 = arith.constant 400 : index
      %swap3A_415 = tpu.vector_load %arg4[%swap3A_413, %swap3A_414] {strides = array<i32>} : memref<16x2048xf32, #tpu.memory_space<vmem>>, vector<16xf32>,
      tpu.vector_store %arg4[%swap3A_413, %swap3A_414], %broadcast_in_dim3A_5 {strides = array<i32>} : memref<16x2048xf32, #tpu.memory_space<vmem>>, vector<16xf32>,
      %swap3A_416 = arith.index_cast %scan3A_338 : i32 to index
      %swap3A_417 = arith.constant 416 : index
      %swap3A_418 = tpu.vector_load %arg4[%swap3A_416, %swap3A_417] {strides = array<i32>} : memref<16x2048xf32, #tpu.memory_space<vmem>>, vector<16xf32>,
      tpu.vector_store %arg4[%swap3A_416, %swap3A_417], %broadcast_in_dim3A_5 {strides = array<i32>} : memref<16x2048xf32, #tpu.memory_space<vmem>>, vector<16xf32>,
      %swap3A_419 = arith.index_cast %scan3A_338 : i32 to index
      %swap3A_420 = arith.constant 432 : index
      %swap3A_421 = tpu.vector_load %arg4[%swap3A_419, %swap3A_420] {strides = array<i32>} : memref<16x2048xf32, #tpu.memory_space<vmem>>, vector<16xf32>,
      tpu.vector_store %arg4[%swap3A_419, %swap3A_420], %broadcast_in_dim3A_5 {strides = array<i32>} : memref<16x2048xf32, #tpu.memory_space<vmem>>, vector<16xf32>,
      %swap3A_422 = arith.index_cast %scan3A_338 : i32 to index
      %swap3A_423 = arith.constant 448 : index
      %swap3A_424 = tpu.vector_load %arg4[%swap3A_422, %swap3A_423] {strides = array<i32>} : memref<16x2048xf32, #tpu.memory_space<vmem>>, vector<16xf32>,
      tpu.vector_store %arg4[%swap3A_422, %swap3A_423], %broadcast_in_dim3A_5 {strides = array<i32>} : memref<16x2048xf32, #tpu.memory_space<vmem>>, vector<16xf32>,
      %swap3A_425 = arith.index_cast %scan3A_338 : i32 to index
      %swap3A_426 = arith.constant 464 : index
      %swap3A_427 = tpu.vector_load %arg4[%swap3A_425, %swap3A_426] {strides = array<i32>} : memref<16x2048xf32, #tpu.memory_space<vmem>>, vector<16xf32>,
      tpu.vector_store %arg4[%swap3A_425, %swap3A_426], %broadcast_in_dim3A_5 {strides = array<i32>} : memref<16x2048xf32, #tpu.memory_space<vmem>>, vector<16xf32>,
      %swap3A_428 = arith.index_cast %scan3A_338 : i32 to index
      %swap3A_429 = arith.constant 480 : index
      %swap3A_430 = tpu.vector_load %arg4[%swap3A_428, %swap3A_429] {strides = array<i32>} : memref<16x2048xf32, #tpu.memory_space<vmem>>, vector<16xf32>,
      tpu.vector_store %arg4[%swap3A_428, %swap3A_429], %broadcast_in_dim3A_5 {strides = array<i32>} : memref<16x2048xf32, #tpu.memory_space<vmem>>, vector<16xf32>,
      %swap3A_431 = arith.index_cast %scan3A_338 : i32 to index
      %swap3A_432 = arith.constant 496 : index
      %swap3A_433 = tpu.vector_load %arg4[%swap3A_431, %swap3A_432] {strides = array<i32>} : memref<16x2048xf32, #tpu.memory_space<vmem>>, vector<16xf32>,
      tpu.vector_store %arg4[%swap3A_431, %swap3A_432], %broadcast_in_dim3A_5 {strides = array<i32>} : memref<16x2048xf32, #tpu.memory_space<vmem>>, vector<16xf32>,
      %swap3A_434 = arith.index_cast %scan3A_338 : i32 to index
      %swap3A_435 = arith.constant 512 : index
      %swap3A_436 = tpu.vector_load %arg4[%swap3A_434, %swap3A_435] {strides = array<i32>} : memref<16x2048xf32, #tpu.memory_space<vmem>>, vector<16xf32>,
      tpu.vector_store %arg4[%swap3A_434, %swap3A_435], %broadcast_in_dim3A_5 {strides = array<i32>} : memref<16x2048xf32, #tpu.memory_space<vmem>>, vector<16xf32>,
      %swap3A_437 = arith.index_cast %scan3A_338 : i32 to index
      %swap3A_438 = arith.constant 528 : index
      %swap3A_439 = tpu.vector_load %arg4[%swap3A_437, %swap3A_438] {strides = array<i32>} : memref<16x2048xf32, #tpu.memory_space<vmem>>, vector<16xf32>,
      tpu.vector_store %arg4[%swap3A_437, %swap3A_438], %broadcast_in_dim3A_5 {strides = array<i32>} : memref<16x2048xf32, #tpu.memory_space<vmem>>, vector<16xf32>,
      %swap3A_440 = arith.index_cast %scan3A_338 : i32 to index
      %swap3A_441 = arith.constant 544 : index
      %swap3A_442 = tpu.vector_load %arg4[%swap3A_440, %swap3A_441] {strides = array<i32>} : memref<16x2048xf32, #tpu.memory_space<vmem>>, vector<16xf32>,
      tpu.vector_store %arg4[%swap3A_440, %swap3A_441], %broadcast_in_dim3A_5 {strides = array<i32>} : memref<16x2048xf32, #tpu.memory_space<vmem>>, vector<16xf32>,
      %swap3A_443 = arith.index_cast %scan3A_338 : i32 to index
      %swap3A_444 = arith.constant 560 : index
      %swap3A_445 = tpu.vector_load %arg4[%swap3A_443, %swap3A_444] {strides = array<i32>} : memref<16x2048xf32, #tpu.memory_space<vmem>>, vector<16xf32>,
      tpu.vector_store %arg4[%swap3A_443, %swap3A_444], %broadcast_in_dim3A_5 {strides = array<i32>} : memref<16x2048xf32, #tpu.memory_space<vmem>>, vector<16xf32>,
      %swap3A_446 = arith.index_cast %scan3A_338 : i32 to index
      %swap3A_447 = arith.constant 576 : index
      %swap3A_448 = tpu.vector_load %arg4[%swap3A_446, %swap3A_447] {strides = array<i32>} : memref<16x2048xf32, #tpu.memory_space<vmem>>, vector<16xf32>,
      tpu.vector_store %arg4[%swap3A_446, %swap3A_447], %broadcast_in_dim3A_5 {strides = array<i32>} : memref<16x2048xf32, #tpu.memory_space<vmem>>, vector<16xf32>,
      %swap3A_449 = arith.index_cast %scan3A_338 : i32 to index
      %swap3A_450 = arith.constant 592 : index
      %swap3A_451 = tpu.vector_load %arg4[%swap3A_449, %swap3A_450] {strides = array<i32>} : memref<16x2048xf32, #tpu.memory_space<vmem>>, vector<16xf32>,
      tpu.vector_store %arg4[%swap3A_449, %swap3A_450], %broadcast_in_dim3A_5 {strides = array<i32>} : memref<16x2048xf32, #tpu.memory_space<vmem>>, vector<16xf32>,
      %swap3A_452 = arith.index_cast %scan3A_338 : i32 to index
      %swap3A_453 = arith.constant 608 : index
      %swap3A_454 = tpu.vector_load %arg4[%swap3A_452, %swap3A_453] {strides = array<i32>} : memref<16x2048xf32, #tpu.memory_space<vmem>>, vector<16xf32>,
      tpu.vector_store %arg4[%swap3A_452, %swap3A_453], %broadcast_in_dim3A_5 {strides = array<i32>} : memref<16x2048xf32, #tpu.memory_space<vmem>>, vector<16xf32>,
      %swap3A_455 = arith.index_cast %scan3A_338 : i32 to index
      %swap3A_456 = arith.constant 624 : index
      %swap3A_457 = tpu.vector_load %arg4[%swap3A_455, %swap3A_456] {strides = array<i32>} : memref<16x2048xf32, #tpu.memory_space<vmem>>, vector<16xf32>,
      tpu.vector_store %arg4[%swap3A_455, %swap3A_456], %broadcast_in_dim3A_5 {strides = array<i32>} : memref<16x2048xf32, #tpu.memory_space<vmem>>, vector<16xf32>,
      %swap3A_458 = arith.index_cast %scan3A_338 : i32 to index
      %swap3A_459 = arith.constant 640 : index
      %swap3A_460 = tpu.vector_load %arg4[%swap3A_458, %swap3A_459] {strides = array<i32>} : memref<16x2048xf32, #tpu.memory_space<vmem>>, vector<16xf32>,
      tpu.vector_store %arg4[%swap3A_458, %swap3A_459], %broadcast_in_dim3A_5 {strides = array<i32>} : memref<16x2048xf32, #tpu.memory_space<vmem>>, vector<16xf32>,
      %swap3A_461 = arith.index_cast %scan3A_338 : i32 to index
      %swap3A_462 = arith.constant 656 : index
      %swap3A_463 = tpu.vector_load %arg4[%swap3A_461, %swap3A_462] {strides = array<i32>} : memref<16x2048xf32, #tpu.memory_space<vmem>>, vector<16xf32>,
      tpu.vector_store %arg4[%swap3A_461, %swap3A_462], %broadcast_in_dim3A_5 {strides = array<i32>} : memref<16x2048xf32, #tpu.memory_space<vmem>>, vector<16xf32>,
      %swap3A_464 = arith.index_cast %scan3A_338 : i32 to index
      %swap3A_465 = arith.constant 672 : index
      %swap3A_466 = tpu.vector_load %arg4[%swap3A_464, %swap3A_465] {strides = array<i32>} : memref<16x2048xf32, #tpu.memory_space<vmem>>, vector<16xf32>,
      tpu.vector_store %arg4[%swap3A_464, %swap3A_465], %broadcast_in_dim3A_5 {strides = array<i32>} : memref<16x2048xf32, #tpu.memory_space<vmem>>, vector<16xf32>,
      %swap3A_467 = arith.index_cast %scan3A_338 : i32 to index
      %swap3A_468 = arith.constant 688 : index
      %swap3A_469 = tpu.vector_load %arg4[%swap3A_467, %swap3A_468] {strides = array<i32>} : memref<16x2048xf32, #tpu.memory_space<vmem>>, vector<16xf32>,
      tpu.vector_store %arg4[%swap3A_467, %swap3A_468], %broadcast_in_dim3A_5 {strides = array<i32>} : memref<16x2048xf32, #tpu.memory_space<vmem>>, vector<16xf32>,
      %swap3A_470 = arith.index_cast %scan3A_338 : i32 to index
      %swap3A_471 = arith.constant 704 : index
      %swap3A_472 = tpu.vector_load %arg4[%swap3A_470, %swap3A_471] {strides = array<i32>} : memref<16x2048xf32, #tpu.memory_space<vmem>>, vector<16xf32>,
      tpu.vector_store %arg4[%swap3A_470, %swap3A_471], %broadcast_in_dim3A_5 {strides = array<i32>} : memref<16x2048xf32, #tpu.memory_space<vmem>>, vector<16xf32>,
      %swap3A_473 = arith.index_cast %scan3A_338 : i32 to index
      %swap3A_474 = arith.constant 720 : index
      %swap3A_475 = tpu.vector_load %arg4[%swap3A_473, %swap3A_474] {strides = array<i32>} : memref<16x2048xf32, #tpu.memory_space<vmem>>, vector<16xf32>,
      tpu.vector_store %arg4[%swap3A_473, %swap3A_474], %broadcast_in_dim3A_5 {strides = array<i32>} : memref<16x2048xf32, #tpu.memory_space<vmem>>, vector<16xf32>,
      %swap3A_476 = arith.index_cast %scan3A_338 : i32 to index
      %swap3A_477 = arith.constant 736 : index
      %swap3A_478 = tpu.vector_load %arg4[%swap3A_476, %swap3A_477] {strides = array<i32>} : memref<16x2048xf32, #tpu.memory_space<vmem>>, vector<16xf32>,
      tpu.vector_store %arg4[%swap3A_476, %swap3A_477], %broadcast_in_dim3A_5 {strides = array<i32>} : memref<16x2048xf32, #tpu.memory_space<vmem>>, vector<16xf32>,
      %swap3A_479 = arith.index_cast %scan3A_338 : i32 to index
      %swap3A_480 = arith.constant 752 : index
      %swap3A_481 = tpu.vector_load %arg4[%swap3A_479, %swap3A_480] {strides = array<i32>} : memref<16x2048xf32, #tpu.memory_space<vmem>>, vector<16xf32>,
      tpu.vector_store %arg4[%swap3A_479, %swap3A_480], %broadcast_in_dim3A_5 {strides = array<i32>} : memref<16x2048xf32, #tpu.memory_space<vmem>>, vector<16xf32>,
      %swap3A_482 = arith.index_cast %scan3A_338 : i32 to index
      %swap3A_483 = arith.constant 768 : index
      %swap3A_484 = tpu.vector_load %arg4[%swap3A_482, %swap3A_483] {strides = array<i32>} : memref<16x2048xf32, #tpu.memory_space<vmem>>, vector<16xf32>,
      tpu.vector_store %arg4[%swap3A_482, %swap3A_483], %broadcast_in_dim3A_5 {strides = array<i32>} : memref<16x2048xf32, #tpu.memory_space<vmem>>, vector<16xf32>,
      %swap3A_485 = arith.index_cast %scan3A_338 : i32 to index
      %swap3A_486 = arith.constant 784 : index
      %swap3A_487 = tpu.vector_load %arg4[%swap3A_485, %swap3A_486] {strides = array<i32>} : memref<16x2048xf32, #tpu.memory_space<vmem>>, vector<16xf32>,
      tpu.vector_store %arg4[%swap3A_485, %swap3A_486], %broadcast_in_dim3A_5 {strides = array<i32>} : memref<16x2048xf32, #tpu.memory_space<vmem>>, vector<16xf32>,
      %swap3A_488 = arith.index_cast %scan3A_338 : i32 to index
      %swap3A_489 = arith.constant 800 : index
      %swap3A_490 = tpu.vector_load %arg4[%swap3A_488, %swap3A_489] {strides = array<i32>} : memref<16x2048xf32, #tpu.memory_space<vmem>>, vector<16xf32>,
      tpu.vector_store %arg4[%swap3A_488, %swap3A_489], %broadcast_in_dim3A_5 {strides = array<i32>} : memref<16x2048xf32, #tpu.memory_space<vmem>>, vector<16xf32>,
      %swap3A_491 = arith.index_cast %scan3A_338 : i32 to index
      %swap3A_492 = arith.constant 816 : index
      %swap3A_493 = tpu.vector_load %arg4[%swap3A_491, %swap3A_492] {strides = array<i32>} : memref<16x2048xf32, #tpu.memory_space<vmem>>, vector<16xf32>,
      tpu.vector_store %arg4[%swap3A_491, %swap3A_492], %broadcast_in_dim3A_5 {strides = array<i32>} : memref<16x2048xf32, #tpu.memory_space<vmem>>, vector<16xf32>,
      %swap3A_494 = arith.index_cast %scan3A_338 : i32 to index
      %swap3A_495 = arith.constant 832 : index
      %swap3A_496 = tpu.vector_load %arg4[%swap3A_494, %swap3A_495] {strides = array<i32>} : memref<16x2048xf32, #tpu.memory_space<vmem>>, vector<16xf32>,
      tpu.vector_store %arg4[%swap3A_494, %swap3A_495], %broadcast_in_dim3A_5 {strides = array<i32>} : memref<16x2048xf32, #tpu.memory_space<vmem>>, vector<16xf32>,
      %swap3A_497 = arith.index_cast %scan3A_338 : i32 to index
      %swap3A_498 = arith.constant 848 : index
      %swap3A_499 = tpu.vector_load %arg4[%swap3A_497, %swap3A_498] {strides = array<i32>} : memref<16x2048xf32, #tpu.memory_space<vmem>>, vector<16xf32>,
      tpu.vector_store %arg4[%swap3A_497, %swap3A_498], %broadcast_in_dim3A_5 {strides = array<i32>} : memref<16x2048xf32, #tpu.memory_space<vmem>>, vector<16xf32>,
      %swap3A_500 = arith.index_cast %scan3A_338 : i32 to index
      %swap3A_501 = arith.constant 864 : index
      %swap3A_502 = tpu.vector_load %arg4[%swap3A_500, %swap3A_501] {strides = array<i32>} : memref<16x2048xf32, #tpu.memory_space<vmem>>, vector<16xf32>,
      tpu.vector_store %arg4[%swap3A_500, %swap3A_501], %broadcast_in_dim3A_5 {strides = array<i32>} : memref<16x2048xf32, #tpu.memory_space<vmem>>, vector<16xf32>,
      %swap3A_503 = arith.index_cast %scan3A_338 : i32 to index
      %swap3A_504 = arith.constant 880 : index
      %swap3A_505 = tpu.vector_load %arg4[%swap3A_503, %swap3A_504] {strides = array<i32>} : memref<16x2048xf32, #tpu.memory_space<vmem>>, vector<16xf32>,
      tpu.vector_store %arg4[%swap3A_503, %swap3A_504], %broadcast_in_dim3A_5 {strides = array<i32>} : memref<16x2048xf32, #tpu.memory_space<vmem>>, vector<16xf32>,
      %swap3A_506 = arith.index_cast %scan3A_338 : i32 to index
      %swap3A_507 = arith.constant 896 : index
      %swap3A_508 = tpu.vector_load %arg4[%swap3A_506, %swap3A_507] {strides = array<i32>} : memref<16x2048xf32, #tpu.memory_space<vmem>>, vector<16xf32>,
      tpu.vector_store %arg4[%swap3A_506, %swap3A_507], %broadcast_in_dim3A_5 {strides = array<i32>} : memref<16x2048xf32, #tpu.memory_space<vmem>>, vector<16xf32>,
      %swap3A_509 = arith.index_cast %scan3A_338 : i32 to index
      %swap3A_510 = arith.constant 912 : index
      %swap3A_511 = tpu.vector_load %arg4[%swap3A_509, %swap3A_510] {strides = array<i32>} : memref<16x2048xf32, #tpu.memory_space<vmem>>, vector<16xf32>,
      tpu.vector_store %arg4[%swap3A_509, %swap3A_510], %broadcast_in_dim3A_5 {strides = array<i32>} : memref<16x2048xf32, #tpu.memory_space<vmem>>, vector<16xf32>,
      %swap3A_512 = arith.index_cast %scan3A_338 : i32 to index
      %swap3A_513 = arith.constant 928 : index
      %swap3A_514 = tpu.vector_load %arg4[%swap3A_512, %swap3A_513] {strides = array<i32>} : memref<16x2048xf32, #tpu.memory_space<vmem>>, vector<16xf32>,
      tpu.vector_store %arg4[%swap3A_512, %swap3A_513], %broadcast_in_dim3A_5 {strides = array<i32>} : memref<16x2048xf32, #tpu.memory_space<vmem>>, vector<16xf32>,
      %swap3A_515 = arith.index_cast %scan3A_338 : i32 to index
      %swap3A_516 = arith.constant 944 : index
      %swap3A_517 = tpu.vector_load %arg4[%swap3A_515, %swap3A_516] {strides = array<i32>} : memref<16x2048xf32, #tpu.memory_space<vmem>>, vector<16xf32>,
      tpu.vector_store %arg4[%swap3A_515, %swap3A_516], %broadcast_in_dim3A_5 {strides = array<i32>} : memref<16x2048xf32, #tpu.memory_space<vmem>>, vector<16xf32>,
      %swap3A_518 = arith.index_cast %scan3A_338 : i32 to index
      %swap3A_519 = arith.constant 960 : index
      %swap3A_520 = tpu.vector_load %arg4[%swap3A_518, %swap3A_519] {strides = array<i32>} : memref<16x2048xf32, #tpu.memory_space<vmem>>, vector<16xf32>,
      tpu.vector_store %arg4[%swap3A_518, %swap3A_519], %broadcast_in_dim3A_5 {strides = array<i32>} : memref<16x2048xf32, #tpu.memory_space<vmem>>, vector<16xf32>,
      %swap3A_521 = arith.index_cast %scan3A_338 : i32 to index
      %swap3A_522 = arith.constant 976 : index
      %swap3A_523 = tpu.vector_load %arg4[%swap3A_521, %swap3A_522] {strides = array<i32>} : memref<16x2048xf32, #tpu.memory_space<vmem>>, vector<16xf32>,
      tpu.vector_store %arg4[%swap3A_521, %swap3A_522], %broadcast_in_dim3A_5 {strides = array<i32>} : memref<16x2048xf32, #tpu.memory_space<vmem>>, vector<16xf32>,
      %swap3A_524 = arith.index_cast %scan3A_338 : i32 to index
      %swap3A_525 = arith.constant 992 : index
      %swap3A_526 = tpu.vector_load %arg4[%swap3A_524, %swap3A_525] {strides = array<i32>} : memref<16x2048xf32, #tpu.memory_space<vmem>>, vector<16xf32>,
      tpu.vector_store %arg4[%swap3A_524, %swap3A_525], %broadcast_in_dim3A_5 {strides = array<i32>} : memref<16x2048xf32, #tpu.memory_space<vmem>>, vector<16xf32>,
      %swap3A_527 = arith.index_cast %scan3A_338 : i32 to index
      %swap3A_528 = arith.constant 1008 : index
      %swap3A_529 = tpu.vector_load %arg4[%swap3A_527, %swap3A_528] {strides = array<i32>} : memref<16x2048xf32, #tpu.memory_space<vmem>>, vector<16xf32>,
      tpu.vector_store %arg4[%swap3A_527, %swap3A_528], %broadcast_in_dim3A_5 {strides = array<i32>} : memref<16x2048xf32, #tpu.memory_space<vmem>>, vector<16xf32>,
      %swap3A_530 = arith.index_cast %scan3A_338 : i32 to index
      %swap3A_531 = arith.constant 1024 : index
      %swap3A_532 = tpu.vector_load %arg4[%swap3A_530, %swap3A_531] {strides = array<i32>} : memref<16x2048xf32, #tpu.memory_space<vmem>>, vector<16xf32>,
      tpu.vector_store %arg4[%swap3A_530, %swap3A_531], %broadcast_in_dim3A_5 {strides = array<i32>} : memref<16x2048xf32, #tpu.memory_space<vmem>>, vector<16xf32>,
      %swap3A_533 = arith.index_cast %scan3A_338 : i32 to index
      %swap3A_534 = arith.constant 1040 : index
      %swap3A_535 = tpu.vector_load %arg4[%swap3A_533, %swap3A_534] {strides = array<i32>} : memref<16x2048xf32, #tpu.memory_space<vmem>>, vector<16xf32>,
      tpu.vector_store %arg4[%swap3A_533, %swap3A_534], %broadcast_in_dim3A_5 {strides = array<i32>} : memref<16x2048xf32, #tpu.memory_space<vmem>>, vector<16xf32>,
      %swap3A_536 = arith.index_cast %scan3A_338 : i32 to index
      %swap3A_537 = arith.constant 1056 : index
      %swap3A_538 = tpu.vector_load %arg4[%swap3A_536, %swap3A_537] {strides = array<i32>} : memref<16x2048xf32, #tpu.memory_space<vmem>>, vector<16xf32>,
      tpu.vector_store %arg4[%swap3A_536, %swap3A_537], %broadcast_in_dim3A_5 {strides = array<i32>} : memref<16x2048xf32, #tpu.memory_space<vmem>>, vector<16xf32>,
      %swap3A_539 = arith.index_cast %scan3A_338 : i32 to index
      %swap3A_540 = arith.constant 1072 : index
      %swap3A_541 = tpu.vector_load %arg4[%swap3A_539, %swap3A_540] {strides = array<i32>} : memref<16x2048xf32, #tpu.memory_space<vmem>>, vector<16xf32>,
      tpu.vector_store %arg4[%swap3A_539, %swap3A_540], %broadcast_in_dim3A_5 {strides = array<i32>} : memref<16x2048xf32, #tpu.memory_space<vmem>>, vector<16xf32>,
      %swap3A_542 = arith.index_cast %scan3A_338 : i32 to index
      %swap3A_543 = arith.constant 1088 : index
      %swap3A_544 = tpu.vector_load %arg4[%swap3A_542, %swap3A_543] {strides = array<i32>} : memref<16x2048xf32, #tpu.memory_space<vmem>>, vector<16xf32>,
      tpu.vector_store %arg4[%swap3A_542, %swap3A_543], %broadcast_in_dim3A_5 {strides = array<i32>} : memref<16x2048xf32, #tpu.memory_space<vmem>>, vector<16xf32>,
      %swap3A_545 = arith.index_cast %scan3A_338 : i32 to index
      %swap3A_546 = arith.constant 1104 : index
      %swap3A_547 = tpu.vector_load %arg4[%swap3A_545, %swap3A_546] {strides = array<i32>} : memref<16x2048xf32, #tpu.memory_space<vmem>>, vector<16xf32>,
      tpu.vector_store %arg4[%swap3A_545, %swap3A_546], %broadcast_in_dim3A_5 {strides = array<i32>} : memref<16x2048xf32, #tpu.memory_space<vmem>>, vector<16xf32>,
      %swap3A_548 = arith.index_cast %scan3A_338 : i32 to index
      %swap3A_549 = arith.constant 1120 : index
      %swap3A_550 = tpu.vector_load %arg4[%swap3A_548, %swap3A_549] {strides = array<i32>} : memref<16x2048xf32, #tpu.memory_space<vmem>>, vector<16xf32>,
      tpu.vector_store %arg4[%swap3A_548, %swap3A_549], %broadcast_in_dim3A_5 {strides = array<i32>} : memref<16x2048xf32, #tpu.memory_space<vmem>>, vector<16xf32>,
      %swap3A_551 = arith.index_cast %scan3A_338 : i32 to index
      %swap3A_552 = arith.constant 1136 : index
      %swap3A_553 = tpu.vector_load %arg4[%swap3A_551, %swap3A_552] {strides = array<i32>} : memref<16x2048xf32, #tpu.memory_space<vmem>>, vector<16xf32>,
      tpu.vector_store %arg4[%swap3A_551, %swap3A_552], %broadcast_in_dim3A_5 {strides = array<i32>} : memref<16x2048xf32, #tpu.memory_space<vmem>>, vector<16xf32>,
      %swap3A_554 = arith.index_cast %scan3A_338 : i32 to index
      %swap3A_555 = arith.constant 1152 : index
      %swap3A_556 = tpu.vector_load %arg4[%swap3A_554, %swap3A_555] {strides = array<i32>} : memref<16x2048xf32, #tpu.memory_space<vmem>>, vector<16xf32>,
      tpu.vector_store %arg4[%swap3A_554, %swap3A_555], %broadcast_in_dim3A_5 {strides = array<i32>} : memref<16x2048xf32, #tpu.memory_space<vmem>>, vector<16xf32>,
      %swap3A_557 = arith.index_cast %scan3A_338 : i32 to index
      %swap3A_558 = arith.constant 1168 : index
      %swap3A_559 = tpu.vector_load %arg4[%swap3A_557, %swap3A_558] {strides = array<i32>} : memref<16x2048xf32, #tpu.memory_space<vmem>>, vector<16xf32>,
      tpu.vector_store %arg4[%swap3A_557, %swap3A_558], %broadcast_in_dim3A_5 {strides = array<i32>} : memref<16x2048xf32, #tpu.memory_space<vmem>>, vector<16xf32>,
      %swap3A_560 = arith.index_cast %scan3A_338 : i32 to index
      %swap3A_561 = arith.constant 1184 : index
      %swap3A_562 = tpu.vector_load %arg4[%swap3A_560, %swap3A_561] {strides = array<i32>} : memref<16x2048xf32, #tpu.memory_space<vmem>>, vector<16xf32>,
      tpu.vector_store %arg4[%swap3A_560, %swap3A_561], %broadcast_in_dim3A_5 {strides = array<i32>} : memref<16x2048xf32, #tpu.memory_space<vmem>>, vector<16xf32>,
      %swap3A_563 = arith.index_cast %scan3A_338 : i32 to index
      %swap3A_564 = arith.constant 1200 : index
      %swap3A_565 = tpu.vector_load %arg4[%swap3A_563, %swap3A_564] {strides = array<i32>} : memref<16x2048xf32, #tpu.memory_space<vmem>>, vector<16xf32>,
      tpu.vector_store %arg4[%swap3A_563, %swap3A_564], %broadcast_in_dim3A_5 {strides = array<i32>} : memref<16x2048xf32, #tpu.memory_space<vmem>>, vector<16xf32>,
      %swap3A_566 = arith.index_cast %scan3A_338 : i32 to index
      %swap3A_567 = arith.constant 1216 : index
      %swap3A_568 = tpu.vector_load %arg4[%swap3A_566, %swap3A_567] {strides = array<i32>} : memref<16x2048xf32, #tpu.memory_space<vmem>>, vector<16xf32>,
      tpu.vector_store %arg4[%swap3A_566, %swap3A_567], %broadcast_in_dim3A_5 {strides = array<i32>} : memref<16x2048xf32, #tpu.memory_space<vmem>>, vector<16xf32>,
      %swap3A_569 = arith.index_cast %scan3A_338 : i32 to index
      %swap3A_570 = arith.constant 1232 : index
      %swap3A_571 = tpu.vector_load %arg4[%swap3A_569, %swap3A_570] {strides = array<i32>} : memref<16x2048xf32, #tpu.memory_space<vmem>>, vector<16xf32>,
      tpu.vector_store %arg4[%swap3A_569, %swap3A_570], %broadcast_in_dim3A_5 {strides = array<i32>} : memref<16x2048xf32, #tpu.memory_space<vmem>>, vector<16xf32>,
      %swap3A_572 = arith.index_cast %scan3A_338 : i32 to index
      %swap3A_573 = arith.constant 1248 : index
      %swap3A_574 = tpu.vector_load %arg4[%swap3A_572, %swap3A_573] {strides = array<i32>} : memref<16x2048xf32, #tpu.memory_space<vmem>>, vector<16xf32>,
      tpu.vector_store %arg4[%swap3A_572, %swap3A_573], %broadcast_in_dim3A_5 {strides = array<i32>} : memref<16x2048xf32, #tpu.memory_space<vmem>>, vector<16xf32>,
      %swap3A_575 = arith.index_cast %scan3A_338 : i32 to index
      %swap3A_576 = arith.constant 1264 : index
      %swap3A_577 = tpu.vector_load %arg4[%swap3A_575, %swap3A_576] {strides = array<i32>} : memref<16x2048xf32, #tpu.memory_space<vmem>>, vector<16xf32>,
      tpu.vector_store %arg4[%swap3A_575, %swap3A_576], %broadcast_in_dim3A_5 {strides = array<i32>} : memref<16x2048xf32, #tpu.memory_space<vmem>>, vector<16xf32>,
      %swap3A_578 = arith.index_cast %scan3A_338 : i32 to index
      %swap3A_579 = arith.constant 1280 : index
      %swap3A_580 = tpu.vector_load %arg4[%swap3A_578, %swap3A_579] {strides = array<i32>} : memref<16x2048xf32, #tpu.memory_space<vmem>>, vector<16xf32>,
      tpu.vector_store %arg4[%swap3A_578, %swap3A_579], %broadcast_in_dim3A_5 {strides = array<i32>} : memref<16x2048xf32, #tpu.memory_space<vmem>>, vector<16xf32>,
      %swap3A_581 = arith.index_cast %scan3A_338 : i32 to index
      %swap3A_582 = arith.constant 1296 : index
      %swap3A_583 = tpu.vector_load %arg4[%swap3A_581, %swap3A_582] {strides = array<i32>} : memref<16x2048xf32, #tpu.memory_space<vmem>>, vector<16xf32>,
      tpu.vector_store %arg4[%swap3A_581, %swap3A_582], %broadcast_in_dim3A_5 {strides = array<i32>} : memref<16x2048xf32, #tpu.memory_space<vmem>>, vector<16xf32>,
      %swap3A_584 = arith.index_cast %scan3A_338 : i32 to index
      %swap3A_585 = arith.constant 1312 : index
      %swap3A_586 = tpu.vector_load %arg4[%swap3A_584, %swap3A_585] {strides = array<i32>} : memref<16x2048xf32, #tpu.memory_space<vmem>>, vector<16xf32>,
      tpu.vector_store %arg4[%swap3A_584, %swap3A_585], %broadcast_in_dim3A_5 {strides = array<i32>} : memref<16x2048xf32, #tpu.memory_space<vmem>>, vector<16xf32>,
      %swap3A_587 = arith.index_cast %scan3A_338 : i32 to index
      %swap3A_588 = arith.constant 1328 : index
      %swap3A_589 = tpu.vector_load %arg4[%swap3A_587, %swap3A_588] {strides = array<i32>} : memref<16x2048xf32, #tpu.memory_space<vmem>>, vector<16xf32>,
      tpu.vector_store %arg4[%swap3A_587, %swap3A_588], %broadcast_in_dim3A_5 {strides = array<i32>} : memref<16x2048xf32, #tpu.memory_space<vmem>>, vector<16xf32>,
      %swap3A_590 = arith.index_cast %scan3A_338 : i32 to index
      %swap3A_591 = arith.constant 1344 : index
      %swap3A_592 = tpu.vector_load %arg4[%swap3A_590, %swap3A_591] {strides = array<i32>} : memref<16x2048xf32, #tpu.memory_space<vmem>>, vector<16xf32>,
      tpu.vector_store %arg4[%swap3A_590, %swap3A_591], %broadcast_in_dim3A_5 {strides = array<i32>} : memref<16x2048xf32, #tpu.memory_space<vmem>>, vector<16xf32>,
      %swap3A_593 = arith.index_cast %scan3A_338 : i32 to index
      %swap3A_594 = arith.constant 1360 : index
      %swap3A_595 = tpu.vector_load %arg4[%swap3A_593, %swap3A_594] {strides = array<i32>} : memref<16x2048xf32, #tpu.memory_space<vmem>>, vector<16xf32>,
      tpu.vector_store %arg4[%swap3A_593, %swap3A_594], %broadcast_in_dim3A_5 {strides = array<i32>} : memref<16x2048xf32, #tpu.memory_space<vmem>>, vector<16xf32>,
      %swap3A_596 = arith.index_cast %scan3A_338 : i32 to index
      %swap3A_597 = arith.constant 1376 : index
      %swap3A_598 = tpu.vector_load %arg4[%swap3A_596, %swap3A_597] {strides = array<i32>} : memref<16x2048xf32, #tpu.memory_space<vmem>>, vector<16xf32>,
      tpu.vector_store %arg4[%swap3A_596, %swap3A_597], %broadcast_in_dim3A_5 {strides = array<i32>} : memref<16x2048xf32, #tpu.memory_space<vmem>>, vector<16xf32>,
      %swap3A_599 = arith.index_cast %scan3A_338 : i32 to index
      %swap3A_600 = arith.constant 1392 : index
      %swap3A_601 = tpu.vector_load %arg4[%swap3A_599, %swap3A_600] {strides = array<i32>} : memref<16x2048xf32, #tpu.memory_space<vmem>>, vector<16xf32>,
      tpu.vector_store %arg4[%swap3A_599, %swap3A_600], %broadcast_in_dim3A_5 {strides = array<i32>} : memref<16x2048xf32, #tpu.memory_space<vmem>>, vector<16xf32>,
      %swap3A_602 = arith.index_cast %scan3A_338 : i32 to index
      %swap3A_603 = arith.constant 1408 : index
      %swap3A_604 = tpu.vector_load %arg4[%swap3A_602, %swap3A_603] {strides = array<i32>} : memref<16x2048xf32, #tpu.memory_space<vmem>>, vector<16xf32>,
      tpu.vector_store %arg4[%swap3A_602, %swap3A_603], %broadcast_in_dim3A_5 {strides = array<i32>} : memref<16x2048xf32, #tpu.memory_space<vmem>>, vector<16xf32>,
      %swap3A_605 = arith.index_cast %scan3A_338 : i32 to index
      %swap3A_606 = arith.constant 1424 : index
      %swap3A_607 = tpu.vector_load %arg4[%swap3A_605, %swap3A_606] {strides = array<i32>} : memref<16x2048xf32, #tpu.memory_space<vmem>>, vector<16xf32>,
      tpu.vector_store %arg4[%swap3A_605, %swap3A_606], %broadcast_in_dim3A_5 {strides = array<i32>} : memref<16x2048xf32, #tpu.memory_space<vmem>>, vector<16xf32>,
      %swap3A_608 = arith.index_cast %scan3A_338 : i32 to index
      %swap3A_609 = arith.constant 1440 : index
      %swap3A_610 = tpu.vector_load %arg4[%swap3A_608, %swap3A_609] {strides = array<i32>} : memref<16x2048xf32, #tpu.memory_space<vmem>>, vector<16xf32>,
      tpu.vector_store %arg4[%swap3A_608, %swap3A_609], %broadcast_in_dim3A_5 {strides = array<i32>} : memref<16x2048xf32, #tpu.memory_space<vmem>>, vector<16xf32>,
      %swap3A_611 = arith.index_cast %scan3A_338 : i32 to index
      %swap3A_612 = arith.constant 1456 : index
      %swap3A_613 = tpu.vector_load %arg4[%swap3A_611, %swap3A_612] {strides = array<i32>} : memref<16x2048xf32, #tpu.memory_space<vmem>>, vector<16xf32>,
      tpu.vector_store %arg4[%swap3A_611, %swap3A_612], %broadcast_in_dim3A_5 {strides = array<i32>} : memref<16x2048xf32, #tpu.memory_space<vmem>>, vector<16xf32>,
      %swap3A_614 = arith.index_cast %scan3A_338 : i32 to index
      %swap3A_615 = arith.constant 1472 : index
      %swap3A_616 = tpu.vector_load %arg4[%swap3A_614, %swap3A_615] {strides = array<i32>} : memref<16x2048xf32, #tpu.memory_space<vmem>>, vector<16xf32>,
      tpu.vector_store %arg4[%swap3A_614, %swap3A_615], %broadcast_in_dim3A_5 {strides = array<i32>} : memref<16x2048xf32, #tpu.memory_space<vmem>>, vector<16xf32>,
      %swap3A_617 = arith.index_cast %scan3A_338 : i32 to index
      %swap3A_618 = arith.constant 1488 : index
      %swap3A_619 = tpu.vector_load %arg4[%swap3A_617, %swap3A_618] {strides = array<i32>} : memref<16x2048xf32, #tpu.memory_space<vmem>>, vector<16xf32>,
      tpu.vector_store %arg4[%swap3A_617, %swap3A_618], %broadcast_in_dim3A_5 {strides = array<i32>} : memref<16x2048xf32, #tpu.memory_space<vmem>>, vector<16xf32>,
      %swap3A_620 = arith.index_cast %scan3A_338 : i32 to index
      %swap3A_621 = arith.constant 1504 : index
      %swap3A_622 = tpu.vector_load %arg4[%swap3A_620, %swap3A_621] {strides = array<i32>} : memref<16x2048xf32, #tpu.memory_space<vmem>>, vector<16xf32>,
      tpu.vector_store %arg4[%swap3A_620, %swap3A_621], %broadcast_in_dim3A_5 {strides = array<i32>} : memref<16x2048xf32, #tpu.memory_space<vmem>>, vector<16xf32>,
      %swap3A_623 = arith.index_cast %scan3A_338 : i32 to index
      %swap3A_624 = arith.constant 1520 : index
      %swap3A_625 = tpu.vector_load %arg4[%swap3A_623, %swap3A_624] {strides = array<i32>} : memref<16x2048xf32, #tpu.memory_space<vmem>>, vector<16xf32>,
      tpu.vector_store %arg4[%swap3A_623, %swap3A_624], %broadcast_in_dim3A_5 {strides = array<i32>} : memref<16x2048xf32, #tpu.memory_space<vmem>>, vector<16xf32>,
      %swap3A_626 = arith.index_cast %scan3A_338 : i32 to index
      %swap3A_627 = arith.constant 1536 : index
      %swap3A_628 = tpu.vector_load %arg4[%swap3A_626, %swap3A_627] {strides = array<i32>} : memref<16x2048xf32, #tpu.memory_space<vmem>>, vector<16xf32>,
      tpu.vector_store %arg4[%swap3A_626, %swap3A_627], %broadcast_in_dim3A_5 {strides = array<i32>} : memref<16x2048xf32, #tpu.memory_space<vmem>>, vector<16xf32>,
      %swap3A_629 = arith.index_cast %scan3A_338 : i32 to index
      %swap3A_630 = arith.constant 1552 : index
      %swap3A_631 = tpu.vector_load %arg4[%swap3A_629, %swap3A_630] {strides = array<i32>} : memref<16x2048xf32, #tpu.memory_space<vmem>>, vector<16xf32>,
      tpu.vector_store %arg4[%swap3A_629, %swap3A_630], %broadcast_in_dim3A_5 {strides = array<i32>} : memref<16x2048xf32, #tpu.memory_space<vmem>>, vector<16xf32>,
      %swap3A_632 = arith.index_cast %scan3A_338 : i32 to index
      %swap3A_633 = arith.constant 1568 : index
      %swap3A_634 = tpu.vector_load %arg4[%swap3A_632, %swap3A_633] {strides = array<i32>} : memref<16x2048xf32, #tpu.memory_space<vmem>>, vector<16xf32>,
      tpu.vector_store %arg4[%swap3A_632, %swap3A_633], %broadcast_in_dim3A_5 {strides = array<i32>} : memref<16x2048xf32, #tpu.memory_space<vmem>>, vector<16xf32>,
      %swap3A_635 = arith.index_cast %scan3A_338 : i32 to index
      %swap3A_636 = arith.constant 1584 : index
      %swap3A_637 = tpu.vector_load %arg4[%swap3A_635, %swap3A_636] {strides = array<i32>} : memref<16x2048xf32, #tpu.memory_space<vmem>>, vector<16xf32>,
      tpu.vector_store %arg4[%swap3A_635, %swap3A_636], %broadcast_in_dim3A_5 {strides = array<i32>} : memref<16x2048xf32, #tpu.memory_space<vmem>>, vector<16xf32>,
      %swap3A_638 = arith.index_cast %scan3A_338 : i32 to index
      %swap3A_639 = arith.constant 1600 : index
      %swap3A_640 = tpu.vector_load %arg4[%swap3A_638, %swap3A_639] {strides = array<i32>} : memref<16x2048xf32, #tpu.memory_space<vmem>>, vector<16xf32>,
      tpu.vector_store %arg4[%swap3A_638, %swap3A_639], %broadcast_in_dim3A_5 {strides = array<i32>} : memref<16x2048xf32, #tpu.memory_space<vmem>>, vector<16xf32>,
      %swap3A_641 = arith.index_cast %scan3A_338 : i32 to index
      %swap3A_642 = arith.constant 1616 : index
      %swap3A_643 = tpu.vector_load %arg4[%swap3A_641, %swap3A_642] {strides = array<i32>} : memref<16x2048xf32, #tpu.memory_space<vmem>>, vector<16xf32>,
      tpu.vector_store %arg4[%swap3A_641, %swap3A_642], %broadcast_in_dim3A_5 {strides = array<i32>} : memref<16x2048xf32, #tpu.memory_space<vmem>>, vector<16xf32>,
      %swap3A_644 = arith.index_cast %scan3A_338 : i32 to index
      %swap3A_645 = arith.constant 1632 : index
      %swap3A_646 = tpu.vector_load %arg4[%swap3A_644, %swap3A_645] {strides = array<i32>} : memref<16x2048xf32, #tpu.memory_space<vmem>>, vector<16xf32>,
      tpu.vector_store %arg4[%swap3A_644, %swap3A_645], %broadcast_in_dim3A_5 {strides = array<i32>} : memref<16x2048xf32, #tpu.memory_space<vmem>>, vector<16xf32>,
      %swap3A_647 = arith.index_cast %scan3A_338 : i32 to index
      %swap3A_648 = arith.constant 1648 : index
      %swap3A_649 = tpu.vector_load %arg4[%swap3A_647, %swap3A_648] {strides = array<i32>} : memref<16x2048xf32, #tpu.memory_space<vmem>>, vector<16xf32>,
      tpu.vector_store %arg4[%swap3A_647, %swap3A_648], %broadcast_in_dim3A_5 {strides = array<i32>} : memref<16x2048xf32, #tpu.memory_space<vmem>>, vector<16xf32>,
      %swap3A_650 = arith.index_cast %scan3A_338 : i32 to index
      %swap3A_651 = arith.constant 1664 : index
      %swap3A_652 = tpu.vector_load %arg4[%swap3A_650, %swap3A_651] {strides = array<i32>} : memref<16x2048xf32, #tpu.memory_space<vmem>>, vector<16xf32>,
      tpu.vector_store %arg4[%swap3A_650, %swap3A_651], %broadcast_in_dim3A_5 {strides = array<i32>} : memref<16x2048xf32, #tpu.memory_space<vmem>>, vector<16xf32>,
      %swap3A_653 = arith.index_cast %scan3A_338 : i32 to index
      %swap3A_654 = arith.constant 1680 : index
      %swap3A_655 = tpu.vector_load %arg4[%swap3A_653, %swap3A_654] {strides = array<i32>} : memref<16x2048xf32, #tpu.memory_space<vmem>>, vector<16xf32>,
      tpu.vector_store %arg4[%swap3A_653, %swap3A_654], %broadcast_in_dim3A_5 {strides = array<i32>} : memref<16x2048xf32, #tpu.memory_space<vmem>>, vector<16xf32>,
      %swap3A_656 = arith.index_cast %scan3A_338 : i32 to index
      %swap3A_657 = arith.constant 1696 : index
      %swap3A_658 = tpu.vector_load %arg4[%swap3A_656, %swap3A_657] {strides = array<i32>} : memref<16x2048xf32, #tpu.memory_space<vmem>>, vector<16xf32>,
      tpu.vector_store %arg4[%swap3A_656, %swap3A_657], %broadcast_in_dim3A_5 {strides = array<i32>} : memref<16x2048xf32, #tpu.memory_space<vmem>>, vector<16xf32>,
      %swap3A_659 = arith.index_cast %scan3A_338 : i32 to index
      %swap3A_660 = arith.constant 1712 : index
      %swap3A_661 = tpu.vector_load %arg4[%swap3A_659, %swap3A_660] {strides = array<i32>} : memref<16x2048xf32, #tpu.memory_space<vmem>>, vector<16xf32>,
      tpu.vector_store %arg4[%swap3A_659, %swap3A_660], %broadcast_in_dim3A_5 {strides = array<i32>} : memref<16x2048xf32, #tpu.memory_space<vmem>>, vector<16xf32>,
      %swap3A_662 = arith.index_cast %scan3A_338 : i32 to index
      %swap3A_663 = arith.constant 1728 : index
      %swap3A_664 = tpu.vector_load %arg4[%swap3A_662, %swap3A_663] {strides = array<i32>} : memref<16x2048xf32, #tpu.memory_space<vmem>>, vector<16xf32>,
      tpu.vector_store %arg4[%swap3A_662, %swap3A_663], %broadcast_in_dim3A_5 {strides = array<i32>} : memref<16x2048xf32, #tpu.memory_space<vmem>>, vector<16xf32>,
      %swap3A_665 = arith.index_cast %scan3A_338 : i32 to index
      %swap3A_666 = arith.constant 1744 : index
      %swap3A_667 = tpu.vector_load %arg4[%swap3A_665, %swap3A_666] {strides = array<i32>} : memref<16x2048xf32, #tpu.memory_space<vmem>>, vector<16xf32>,
      tpu.vector_store %arg4[%swap3A_665, %swap3A_666], %broadcast_in_dim3A_5 {strides = array<i32>} : memref<16x2048xf32, #tpu.memory_space<vmem>>, vector<16xf32>,
      %swap3A_668 = arith.index_cast %scan3A_338 : i32 to index
      %swap3A_669 = arith.constant 1760 : index
      %swap3A_670 = tpu.vector_load %arg4[%swap3A_668, %swap3A_669] {strides = array<i32>} : memref<16x2048xf32, #tpu.memory_space<vmem>>, vector<16xf32>,
      tpu.vector_store %arg4[%swap3A_668, %swap3A_669], %broadcast_in_dim3A_5 {strides = array<i32>} : memref<16x2048xf32, #tpu.memory_space<vmem>>, vector<16xf32>,
      %swap3A_671 = arith.index_cast %scan3A_338 : i32 to index
      %swap3A_672 = arith.constant 1776 : index
      %swap3A_673 = tpu.vector_load %arg4[%swap3A_671, %swap3A_672] {strides = array<i32>} : memref<16x2048xf32, #tpu.memory_space<vmem>>, vector<16xf32>,
      tpu.vector_store %arg4[%swap3A_671, %swap3A_672], %broadcast_in_dim3A_5 {strides = array<i32>} : memref<16x2048xf32, #tpu.memory_space<vmem>>, vector<16xf32>,
      %swap3A_674 = arith.index_cast %scan3A_338 : i32 to index
      %swap3A_675 = arith.constant 1792 : index
      %swap3A_676 = tpu.vector_load %arg4[%swap3A_674, %swap3A_675] {strides = array<i32>} : memref<16x2048xf32, #tpu.memory_space<vmem>>, vector<16xf32>,
      tpu.vector_store %arg4[%swap3A_674, %swap3A_675], %broadcast_in_dim3A_5 {strides = array<i32>} : memref<16x2048xf32, #tpu.memory_space<vmem>>, vector<16xf32>,
      %swap3A_677 = arith.index_cast %scan3A_338 : i32 to index
      %swap3A_678 = arith.constant 1808 : index
      %swap3A_679 = tpu.vector_load %arg4[%swap3A_677, %swap3A_678] {strides = array<i32>} : memref<16x2048xf32, #tpu.memory_space<vmem>>, vector<16xf32>,
      tpu.vector_store %arg4[%swap3A_677, %swap3A_678], %broadcast_in_dim3A_5 {strides = array<i32>} : memref<16x2048xf32, #tpu.memory_space<vmem>>, vector<16xf32>,
      %swap3A_680 = arith.index_cast %scan3A_338 : i32 to index
      %swap3A_681 = arith.constant 1824 : index
      %swap3A_682 = tpu.vector_load %arg4[%swap3A_680, %swap3A_681] {strides = array<i32>} : memref<16x2048xf32, #tpu.memory_space<vmem>>, vector<16xf32>,
      tpu.vector_store %arg4[%swap3A_680, %swap3A_681], %broadcast_in_dim3A_5 {strides = array<i32>} : memref<16x2048xf32, #tpu.memory_space<vmem>>, vector<16xf32>,
      %swap3A_683 = arith.index_cast %scan3A_338 : i32 to index
      %swap3A_684 = arith.constant 1840 : index
      %swap3A_685 = tpu.vector_load %arg4[%swap3A_683, %swap3A_684] {strides = array<i32>} : memref<16x2048xf32, #tpu.memory_space<vmem>>, vector<16xf32>,
      tpu.vector_store %arg4[%swap3A_683, %swap3A_684], %broadcast_in_dim3A_5 {strides = array<i32>} : memref<16x2048xf32, #tpu.memory_space<vmem>>, vector<16xf32>,
      %swap3A_686 = arith.index_cast %scan3A_338 : i32 to index
      %swap3A_687 = arith.constant 1856 : index
      %swap3A_688 = tpu.vector_load %arg4[%swap3A_686, %swap3A_687] {strides = array<i32>} : memref<16x2048xf32, #tpu.memory_space<vmem>>, vector<16xf32>,
      tpu.vector_store %arg4[%swap3A_686, %swap3A_687], %broadcast_in_dim3A_5 {strides = array<i32>} : memref<16x2048xf32, #tpu.memory_space<vmem>>, vector<16xf32>,
      %swap3A_689 = arith.index_cast %scan3A_338 : i32 to index
      %swap3A_690 = arith.constant 1872 : index
      %swap3A_691 = tpu.vector_load %arg4[%swap3A_689, %swap3A_690] {strides = array<i32>} : memref<16x2048xf32, #tpu.memory_space<vmem>>, vector<16xf32>,
      tpu.vector_store %arg4[%swap3A_689, %swap3A_690], %broadcast_in_dim3A_5 {strides = array<i32>} : memref<16x2048xf32, #tpu.memory_space<vmem>>, vector<16xf32>,
      %swap3A_692 = arith.index_cast %scan3A_338 : i32 to index
      %swap3A_693 = arith.constant 1888 : index
      %swap3A_694 = tpu.vector_load %arg4[%swap3A_692, %swap3A_693] {strides = array<i32>} : memref<16x2048xf32, #tpu.memory_space<vmem>>, vector<16xf32>,
      tpu.vector_store %arg4[%swap3A_692, %swap3A_693], %broadcast_in_dim3A_5 {strides = array<i32>} : memref<16x2048xf32, #tpu.memory_space<vmem>>, vector<16xf32>,
      %swap3A_695 = arith.index_cast %scan3A_338 : i32 to index
      %swap3A_696 = arith.constant 1904 : index
      %swap3A_697 = tpu.vector_load %arg4[%swap3A_695, %swap3A_696] {strides = array<i32>} : memref<16x2048xf32, #tpu.memory_space<vmem>>, vector<16xf32>,
      tpu.vector_store %arg4[%swap3A_695, %swap3A_696], %broadcast_in_dim3A_5 {strides = array<i32>} : memref<16x2048xf32, #tpu.memory_space<vmem>>, vector<16xf32>,
      %swap3A_698 = arith.index_cast %scan3A_338 : i32 to index
      %swap3A_699 = arith.constant 1920 : index
      %swap3A_700 = tpu.vector_load %arg4[%swap3A_698, %swap3A_699] {strides = array<i32>} : memref<16x2048xf32, #tpu.memory_space<vmem>>, vector<16xf32>,
      tpu.vector_store %arg4[%swap3A_698, %swap3A_699], %broadcast_in_dim3A_5 {strides = array<i32>} : memref<16x2048xf32, #tpu.memory_space<vmem>>, vector<16xf32>,
      %swap3A_701 = arith.index_cast %scan3A_338 : i32 to index
      %swap3A_702 = arith.constant 1936 : index
      %swap3A_703 = tpu.vector_load %arg4[%swap3A_701, %swap3A_702] {strides = array<i32>} : memref<16x2048xf32, #tpu.memory_space<vmem>>, vector<16xf32>,
      tpu.vector_store %arg4[%swap3A_701, %swap3A_702], %broadcast_in_dim3A_5 {strides = array<i32>} : memref<16x2048xf32, #tpu.memory_space<vmem>>, vector<16xf32>,
      %swap3A_704 = arith.index_cast %scan3A_338 : i32 to index
      %swap3A_705 = arith.constant 1952 : index
      %swap3A_706 = tpu.vector_load %arg4[%swap3A_704, %swap3A_705] {strides = array<i32>} : memref<16x2048xf32, #tpu.memory_space<vmem>>, vector<16xf32>,
      tpu.vector_store %arg4[%swap3A_704, %swap3A_705], %broadcast_in_dim3A_5 {strides = array<i32>} : memref<16x2048xf32, #tpu.memory_space<vmem>>, vector<16xf32>,
      %swap3A_707 = arith.index_cast %scan3A_338 : i32 to index
      %swap3A_708 = arith.constant 1968 : index
      %swap3A_709 = tpu.vector_load %arg4[%swap3A_707, %swap3A_708] {strides = array<i32>} : memref<16x2048xf32, #tpu.memory_space<vmem>>, vector<16xf32>,
      tpu.vector_store %arg4[%swap3A_707, %swap3A_708], %broadcast_in_dim3A_5 {strides = array<i32>} : memref<16x2048xf32, #tpu.memory_space<vmem>>, vector<16xf32>,
      %swap3A_710 = arith.index_cast %scan3A_338 : i32 to index
      %swap3A_711 = arith.constant 1984 : index
      %swap3A_712 = tpu.vector_load %arg4[%swap3A_710, %swap3A_711] {strides = array<i32>} : memref<16x2048xf32, #tpu.memory_space<vmem>>, vector<16xf32>,
      tpu.vector_store %arg4[%swap3A_710, %swap3A_711], %broadcast_in_dim3A_5 {strides = array<i32>} : memref<16x2048xf32, #tpu.memory_space<vmem>>, vector<16xf32>,
      %swap3A_713 = arith.index_cast %scan3A_338 : i32 to index
      %swap3A_714 = arith.constant 2000 : index
      %swap3A_715 = tpu.vector_load %arg4[%swap3A_713, %swap3A_714] {strides = array<i32>} : memref<16x2048xf32, #tpu.memory_space<vmem>>, vector<16xf32>,
      tpu.vector_store %arg4[%swap3A_713, %swap3A_714], %broadcast_in_dim3A_5 {strides = array<i32>} : memref<16x2048xf32, #tpu.memory_space<vmem>>, vector<16xf32>,
      %swap3A_716 = arith.index_cast %scan3A_338 : i32 to index
      %swap3A_717 = arith.constant 2016 : index
      %swap3A_718 = tpu.vector_load %arg4[%swap3A_716, %swap3A_717] {strides = array<i32>} : memref<16x2048xf32, #tpu.memory_space<vmem>>, vector<16xf32>,
      tpu.vector_store %arg4[%swap3A_716, %swap3A_717], %broadcast_in_dim3A_5 {strides = array<i32>} : memref<16x2048xf32, #tpu.memory_space<vmem>>, vector<16xf32>,
      %swap3A_719 = arith.index_cast %scan3A_338 : i32 to index
      %swap3A_720 = arith.constant 2032 : index
      %swap3A_721 = tpu.vector_load %arg4[%swap3A_719, %swap3A_720] {strides = array<i32>} : memref<16x2048xf32, #tpu.memory_space<vmem>>, vector<16xf32>,
      tpu.vector_store %arg4[%swap3A_719, %swap3A_720], %broadcast_in_dim3A_5 {strides = array<i32>} : memref<16x2048xf32, #tpu.memory_space<vmem>>, vector<16xf32>,
    }
    %scan3A_15 = arith.constant 16 : i32
    %dma_wait3A = arith.constant 0 : i32
    %dma_wait3A_16 = tpu.memref_slice %arg2[%dma_wait3A, %multiple_of3A] : memref<4x2048xi32, #tpu.memory_space<hbm>> -> memref<4x256xi32, #tpu.memory_space<hbm>>
    %dma_wait3A_17 = arith.constant 0 : i32
    %dma_wait3A_18 = tpu.memref_slice %arg2[%dma_wait3A_17, %multiple_of3A] : memref<4x2048xi32, #tpu.memory_space<hbm>> -> memref<4x256xi32, #tpu.memory_space<hbm>>
    tpu.wait_dma2 semaphore(%arg8 : memref<!tpu.dma_semaphore, #tpu.memory_space<semaphore_mem>>) src(%dma_wait3A_18 : memref<4x256xi32, #tpu.memory_space<hbm>>) dst(%arg6 : memref<4x256xi32, #tpu.memory_space<vmem>>)
    %get3A = arith.index_cast %shift_right_logical3A_3 : i32 to index
    %get3A_19 = arith.constant 0 : index
    %get3A_20 = tpu.vector_load %arg6[%get3A, %get3A_19] {strides = array<i32>} : memref<4x256xi32, #tpu.memory_space<vmem>>, vector<16xi32>,
    tpu.vector_store_idx %arg4[%iota3A, %get3A_20], %broadcast_in_dim3A_7 : memref<16x2048xf32, #tpu.memory_space<vmem>>[vector<16xi32>, vector<16xi32>], vector<16xf32>,
    %add3A_21 = arith.constant 0 : i32
    %add3A_22 = arith.addi %multiple_of3A, %add3A_21 : i32
    %dma_start3A_23 = arith.constant 0 : i32
    %dma_start3A_24 = tpu.memref_slice %arg3[%shift_right_logical3A_3, %add3A_22, %dma_start3A_23] : memref<4x2048x2048xf32, #tpu.memory_space<hbm>> -> memref<1x16x2048xf32, #tpu.memory_space<hbm>>
    %dma_start3A_25 = tpu.memref_squeeze %dma_start3A_24 : memref<1x16x2048xf32, #tpu.memory_space<hbm>> -> memref<16x2048xf32, #tpu.memory_space<hbm>>
    %dma_start3A_26 = arith.constant 0 : i32
    %dma_start3A_27 = tpu.memref_slice %arg3[%shift_right_logical3A_3, %add3A_22, %dma_start3A_26] : memref<4x2048x2048xf32, #tpu.memory_space<hbm>> -> memref<1x16x2048xf32, #tpu.memory_space<hbm>>
    %dma_start3A_28 = tpu.memref_squeeze %dma_start3A_27 : memref<1x16x2048xf32, #tpu.memory_space<hbm>> -> memref<16x2048xf32, #tpu.memory_space<hbm>>
    tpu.enqueue_dma source(%arg4 : memref<16x2048xf32, #tpu.memory_space<vmem>>) target(%dma_start3A_28 : memref<16x2048xf32, #tpu.memory_space<hbm>>) target_semaphore(%arg7 : memref<!tpu.dma_semaphore, #tpu.memory_space<semaphore_mem>>)
    %scan3A_29 = arith.constant 0 : i32
    %scan3A_30 = arith.constant 0 : i32
    %scan3A_31 = arith.constant 16 : i32
    %scan3A_32 = arith.addi %scan3A_30, %scan3A_31 : i32
    %scan3A_33 = arith.constant 1 : i32
    scf.for %scan3A_338 = %scan3A_30 to %scan3A_32 step %scan3A_33  : i32 {
      %swap3A = arith.index_cast %scan3A_338 : i32 to index
      %swap3A_339 = arith.constant 0 : index
      %swap3A_340 = tpu.vector_load %arg5[%swap3A, %swap3A_339] {strides = array<i32>} : memref<16x2048xf32, #tpu.memory_space<vmem>>, vector<16xf32>,
      tpu.vector_store %arg5[%swap3A, %swap3A_339], %broadcast_in_dim3A_5 {strides = array<i32>} : memref<16x2048xf32, #tpu.memory_space<vmem>>, vector<16xf32>,
      %swap3A_341 = arith.index_cast %scan3A_338 : i32 to index
      %swap3A_342 = arith.constant 16 : index
      %swap3A_343 = tpu.vector_load %arg5[%swap3A_341, %swap3A_342] {strides = array<i32>} : memref<16x2048xf32, #tpu.memory_space<vmem>>, vector<16xf32>,
      tpu.vector_store %arg5[%swap3A_341, %swap3A_342], %broadcast_in_dim3A_5 {strides = array<i32>} : memref<16x2048xf32, #tpu.memory_space<vmem>>, vector<16xf32>,
      %swap3A_344 = arith.index_cast %scan3A_338 : i32 to index
      %swap3A_345 = arith.constant 32 : index
      %swap3A_346 = tpu.vector_load %arg5[%swap3A_344, %swap3A_345] {strides = array<i32>} : memref<16x2048xf32, #tpu.memory_space<vmem>>, vector<16xf32>,
      tpu.vector_store %arg5[%swap3A_344, %swap3A_345], %broadcast_in_dim3A_5 {strides = array<i32>} : memref<16x2048xf32, #tpu.memory_space<vmem>>, vector<16xf32>,
      %swap3A_347 = arith.index_cast %scan3A_338 : i32 to index
      %swap3A_348 = arith.constant 48 : index
      %swap3A_349 = tpu.vector_load %arg5[%swap3A_347, %swap3A_348] {strides = array<i32>} : memref<16x2048xf32, #tpu.memory_space<vmem>>, vector<16xf32>,
      tpu.vector_store %arg5[%swap3A_347, %swap3A_348], %broadcast_in_dim3A_5 {strides = array<i32>} : memref<16x2048xf32, #tpu.memory_space<vmem>>, vector<16xf32>,
      %swap3A_350 = arith.index_cast %scan3A_338 : i32 to index
      %swap3A_351 = arith.constant 64 : index
      %swap3A_352 = tpu.vector_load %arg5[%swap3A_350, %swap3A_351] {strides = array<i32>} : memref<16x2048xf32, #tpu.memory_space<vmem>>, vector<16xf32>,
      tpu.vector_store %arg5[%swap3A_350, %swap3A_351], %broadcast_in_dim3A_5 {strides = array<i32>} : memref<16x2048xf32, #tpu.memory_space<vmem>>, vector<16xf32>,
      %swap3A_353 = arith.index_cast %scan3A_338 : i32 to index
      %swap3A_354 = arith.constant 80 : index
      %swap3A_355 = tpu.vector_load %arg5[%swap3A_353, %swap3A_354] {strides = array<i32>} : memref<16x2048xf32, #tpu.memory_space<vmem>>, vector<16xf32>,
      tpu.vector_store %arg5[%swap3A_353, %swap3A_354], %broadcast_in_dim3A_5 {strides = array<i32>} : memref<16x2048xf32, #tpu.memory_space<vmem>>, vector<16xf32>,
      %swap3A_356 = arith.index_cast %scan3A_338 : i32 to index
      %swap3A_357 = arith.constant 96 : index
      %swap3A_358 = tpu.vector_load %arg5[%swap3A_356, %swap3A_357] {strides = array<i32>} : memref<16x2048xf32, #tpu.memory_space<vmem>>, vector<16xf32>,
      tpu.vector_store %arg5[%swap3A_356, %swap3A_357], %broadcast_in_dim3A_5 {strides = array<i32>} : memref<16x2048xf32, #tpu.memory_space<vmem>>, vector<16xf32>,
      %swap3A_359 = arith.index_cast %scan3A_338 : i32 to index
      %swap3A_360 = arith.constant 112 : index
      %swap3A_361 = tpu.vector_load %arg5[%swap3A_359, %swap3A_360] {strides = array<i32>} : memref<16x2048xf32, #tpu.memory_space<vmem>>, vector<16xf32>,
      tpu.vector_store %arg5[%swap3A_359, %swap3A_360], %broadcast_in_dim3A_5 {strides = array<i32>} : memref<16x2048xf32, #tpu.memory_space<vmem>>, vector<16xf32>,
      %swap3A_362 = arith.index_cast %scan3A_338 : i32 to index
      %swap3A_363 = arith.constant 128 : index
      %swap3A_364 = tpu.vector_load %arg5[%swap3A_362, %swap3A_363] {strides = array<i32>} : memref<16x2048xf32, #tpu.memory_space<vmem>>, vector<16xf32>,
      tpu.vector_store %arg5[%swap3A_362, %swap3A_363], %broadcast_in_dim3A_5 {strides = array<i32>} : memref<16x2048xf32, #tpu.memory_space<vmem>>, vector<16xf32>,
      %swap3A_365 = arith.index_cast %scan3A_338 : i32 to index
      %swap3A_366 = arith.constant 144 : index
      %swap3A_367 = tpu.vector_load %arg5[%swap3A_365, %swap3A_366] {strides = array<i32>} : memref<16x2048xf32, #tpu.memory_space<vmem>>, vector<16xf32>,
      tpu.vector_store %arg5[%swap3A_365, %swap3A_366], %broadcast_in_dim3A_5 {strides = array<i32>} : memref<16x2048xf32, #tpu.memory_space<vmem>>, vector<16xf32>,
      %swap3A_368 = arith.index_cast %scan3A_338 : i32 to index
      %swap3A_369 = arith.constant 160 : index
      %swap3A_370 = tpu.vector_load %arg5[%swap3A_368, %swap3A_369] {strides = array<i32>} : memref<16x2048xf32, #tpu.memory_space<vmem>>, vector<16xf32>,
      tpu.vector_store %arg5[%swap3A_368, %swap3A_369], %broadcast_in_dim3A_5 {strides = array<i32>} : memref<16x2048xf32, #tpu.memory_space<vmem>>, vector<16xf32>,
      %swap3A_371 = arith.index_cast %scan3A_338 : i32 to index
      %swap3A_372 = arith.constant 176 : index
      %swap3A_373 = tpu.vector_load %arg5[%swap3A_371, %swap3A_372] {strides = array<i32>} : memref<16x2048xf32, #tpu.memory_space<vmem>>, vector<16xf32>,
      tpu.vector_store %arg5[%swap3A_371, %swap3A_372], %broadcast_in_dim3A_5 {strides = array<i32>} : memref<16x2048xf32, #tpu.memory_space<vmem>>, vector<16xf32>,
      %swap3A_374 = arith.index_cast %scan3A_338 : i32 to index
      %swap3A_375 = arith.constant 192 : index
      %swap3A_376 = tpu.vector_load %arg5[%swap3A_374, %swap3A_375] {strides = array<i32>} : memref<16x2048xf32, #tpu.memory_space<vmem>>, vector<16xf32>,
      tpu.vector_store %arg5[%swap3A_374, %swap3A_375], %broadcast_in_dim3A_5 {strides = array<i32>} : memref<16x2048xf32, #tpu.memory_space<vmem>>, vector<16xf32>,
      %swap3A_377 = arith.index_cast %scan3A_338 : i32 to index
      %swap3A_378 = arith.constant 208 : index
      %swap3A_379 = tpu.vector_load %arg5[%swap3A_377, %swap3A_378] {strides = array<i32>} : memref<16x2048xf32, #tpu.memory_space<vmem>>, vector<16xf32>,
      tpu.vector_store %arg5[%swap3A_377, %swap3A_378], %broadcast_in_dim3A_5 {strides = array<i32>} : memref<16x2048xf32, #tpu.memory_space<vmem>>, vector<16xf32>,
      %swap3A_380 = arith.index_cast %scan3A_338 : i32 to index
      %swap3A_381 = arith.constant 224 : index
      %swap3A_382 = tpu.vector_load %arg5[%swap3A_380, %swap3A_381] {strides = array<i32>} : memref<16x2048xf32, #tpu.memory_space<vmem>>, vector<16xf32>,
      tpu.vector_store %arg5[%swap3A_380, %swap3A_381], %broadcast_in_dim3A_5 {strides = array<i32>} : memref<16x2048xf32, #tpu.memory_space<vmem>>, vector<16xf32>,
      %swap3A_383 = arith.index_cast %scan3A_338 : i32 to index
      %swap3A_384 = arith.constant 240 : index
      %swap3A_385 = tpu.vector_load %arg5[%swap3A_383, %swap3A_384] {strides = array<i32>} : memref<16x2048xf32, #tpu.memory_space<vmem>>, vector<16xf32>,
      tpu.vector_store %arg5[%swap3A_383, %swap3A_384], %broadcast_in_dim3A_5 {strides = array<i32>} : memref<16x2048xf32, #tpu.memory_space<vmem>>, vector<16xf32>,
      %swap3A_386 = arith.index_cast %scan3A_338 : i32 to index
      %swap3A_387 = arith.constant 256 : index
      %swap3A_388 = tpu.vector_load %arg5[%swap3A_386, %swap3A_387] {strides = array<i32>} : memref<16x2048xf32, #tpu.memory_space<vmem>>, vector<16xf32>,
      tpu.vector_store %arg5[%swap3A_386, %swap3A_387], %broadcast_in_dim3A_5 {strides = array<i32>} : memref<16x2048xf32, #tpu.memory_space<vmem>>, vector<16xf32>,
      %swap3A_389 = arith.index_cast %scan3A_338 : i32 to index
      %swap3A_390 = arith.constant 272 : index
      %swap3A_391 = tpu.vector_load %arg5[%swap3A_389, %swap3A_390] {strides = array<i32>} : memref<16x2048xf32, #tpu.memory_space<vmem>>, vector<16xf32>,
      tpu.vector_store %arg5[%swap3A_389, %swap3A_390], %broadcast_in_dim3A_5 {strides = array<i32>} : memref<16x2048xf32, #tpu.memory_space<vmem>>, vector<16xf32>,
      %swap3A_392 = arith.index_cast %scan3A_338 : i32 to index
      %swap3A_393 = arith.constant 288 : index
      %swap3A_394 = tpu.vector_load %arg5[%swap3A_392, %swap3A_393] {strides = array<i32>} : memref<16x2048xf32, #tpu.memory_space<vmem>>, vector<16xf32>,
      tpu.vector_store %arg5[%swap3A_392, %swap3A_393], %broadcast_in_dim3A_5 {strides = array<i32>} : memref<16x2048xf32, #tpu.memory_space<vmem>>, vector<16xf32>,
      %swap3A_395 = arith.index_cast %scan3A_338 : i32 to index
      %swap3A_396 = arith.constant 304 : index
      %swap3A_397 = tpu.vector_load %arg5[%swap3A_395, %swap3A_396] {strides = array<i32>} : memref<16x2048xf32, #tpu.memory_space<vmem>>, vector<16xf32>,
      tpu.vector_store %arg5[%swap3A_395, %swap3A_396], %broadcast_in_dim3A_5 {strides = array<i32>} : memref<16x2048xf32, #tpu.memory_space<vmem>>, vector<16xf32>,
      %swap3A_398 = arith.index_cast %scan3A_338 : i32 to index
      %swap3A_399 = arith.constant 320 : index
      %swap3A_400 = tpu.vector_load %arg5[%swap3A_398, %swap3A_399] {strides = array<i32>} : memref<16x2048xf32, #tpu.memory_space<vmem>>, vector<16xf32>,
      tpu.vector_store %arg5[%swap3A_398, %swap3A_399], %broadcast_in_dim3A_5 {strides = array<i32>} : memref<16x2048xf32, #tpu.memory_space<vmem>>, vector<16xf32>,
      %swap3A_401 = arith.index_cast %scan3A_338 : i32 to index
      %swap3A_402 = arith.constant 336 : index
      %swap3A_403 = tpu.vector_load %arg5[%swap3A_401, %swap3A_402] {strides = array<i32>} : memref<16x2048xf32, #tpu.memory_space<vmem>>, vector<16xf32>,
      tpu.vector_store %arg5[%swap3A_401, %swap3A_402], %broadcast_in_dim3A_5 {strides = array<i32>} : memref<16x2048xf32, #tpu.memory_space<vmem>>, vector<16xf32>,
      %swap3A_404 = arith.index_cast %scan3A_338 : i32 to index
      %swap3A_405 = arith.constant 352 : index
      %swap3A_406 = tpu.vector_load %arg5[%swap3A_404, %swap3A_405] {strides = array<i32>} : memref<16x2048xf32, #tpu.memory_space<vmem>>, vector<16xf32>,
      tpu.vector_store %arg5[%swap3A_404, %swap3A_405], %broadcast_in_dim3A_5 {strides = array<i32>} : memref<16x2048xf32, #tpu.memory_space<vmem>>, vector<16xf32>,
      %swap3A_407 = arith.index_cast %scan3A_338 : i32 to index
      %swap3A_408 = arith.constant 368 : index
      %swap3A_409 = tpu.vector_load %arg5[%swap3A_407, %swap3A_408] {strides = array<i32>} : memref<16x2048xf32, #tpu.memory_space<vmem>>, vector<16xf32>,
      tpu.vector_store %arg5[%swap3A_407, %swap3A_408], %broadcast_in_dim3A_5 {strides = array<i32>} : memref<16x2048xf32, #tpu.memory_space<vmem>>, vector<16xf32>,
      %swap3A_410 = arith.index_cast %scan3A_338 : i32 to index
      %swap3A_411 = arith.constant 384 : index
      %swap3A_412 = tpu.vector_load %arg5[%swap3A_410, %swap3A_411] {strides = array<i32>} : memref<16x2048xf32, #tpu.memory_space<vmem>>, vector<16xf32>,
      tpu.vector_store %arg5[%swap3A_410, %swap3A_411], %broadcast_in_dim3A_5 {strides = array<i32>} : memref<16x2048xf32, #tpu.memory_space<vmem>>, vector<16xf32>,
      %swap3A_413 = arith.index_cast %scan3A_338 : i32 to index
      %swap3A_414 = arith.constant 400 : index
      %swap3A_415 = tpu.vector_load %arg5[%swap3A_413, %swap3A_414] {strides = array<i32>} : memref<16x2048xf32, #tpu.memory_space<vmem>>, vector<16xf32>,
      tpu.vector_store %arg5[%swap3A_413, %swap3A_414], %broadcast_in_dim3A_5 {strides = array<i32>} : memref<16x2048xf32, #tpu.memory_space<vmem>>, vector<16xf32>,
      %swap3A_416 = arith.index_cast %scan3A_338 : i32 to index
      %swap3A_417 = arith.constant 416 : index
      %swap3A_418 = tpu.vector_load %arg5[%swap3A_416, %swap3A_417] {strides = array<i32>} : memref<16x2048xf32, #tpu.memory_space<vmem>>, vector<16xf32>,
      tpu.vector_store %arg5[%swap3A_416, %swap3A_417], %broadcast_in_dim3A_5 {strides = array<i32>} : memref<16x2048xf32, #tpu.memory_space<vmem>>, vector<16xf32>,
      %swap3A_419 = arith.index_cast %scan3A_338 : i32 to index
      %swap3A_420 = arith.constant 432 : index
      %swap3A_421 = tpu.vector_load %arg5[%swap3A_419, %swap3A_420] {strides = array<i32>} : memref<16x2048xf32, #tpu.memory_space<vmem>>, vector<16xf32>,
      tpu.vector_store %arg5[%swap3A_419, %swap3A_420], %broadcast_in_dim3A_5 {strides = array<i32>} : memref<16x2048xf32, #tpu.memory_space<vmem>>, vector<16xf32>,
      %swap3A_422 = arith.index_cast %scan3A_338 : i32 to index
      %swap3A_423 = arith.constant 448 : index
      %swap3A_424 = tpu.vector_load %arg5[%swap3A_422, %swap3A_423] {strides = array<i32>} : memref<16x2048xf32, #tpu.memory_space<vmem>>, vector<16xf32>,
      tpu.vector_store %arg5[%swap3A_422, %swap3A_423], %broadcast_in_dim3A_5 {strides = array<i32>} : memref<16x2048xf32, #tpu.memory_space<vmem>>, vector<16xf32>,
      %swap3A_425 = arith.index_cast %scan3A_338 : i32 to index
      %swap3A_426 = arith.constant 464 : index
      %swap3A_427 = tpu.vector_load %arg5[%swap3A_425, %swap3A_426] {strides = array<i32>} : memref<16x2048xf32, #tpu.memory_space<vmem>>, vector<16xf32>,
      tpu.vector_store %arg5[%swap3A_425, %swap3A_426], %broadcast_in_dim3A_5 {strides = array<i32>} : memref<16x2048xf32, #tpu.memory_space<vmem>>, vector<16xf32>,
      %swap3A_428 = arith.index_cast %scan3A_338 : i32 to index
      %swap3A_429 = arith.constant 480 : index
      %swap3A_430 = tpu.vector_load %arg5[%swap3A_428, %swap3A_429] {strides = array<i32>} : memref<16x2048xf32, #tpu.memory_space<vmem>>, vector<16xf32>,
      tpu.vector_store %arg5[%swap3A_428, %swap3A_429], %broadcast_in_dim3A_5 {strides = array<i32>} : memref<16x2048xf32, #tpu.memory_space<vmem>>, vector<16xf32>,
      %swap3A_431 = arith.index_cast %scan3A_338 : i32 to index
      %swap3A_432 = arith.constant 496 : index
      %swap3A_433 = tpu.vector_load %arg5[%swap3A_431, %swap3A_432] {strides = array<i32>} : memref<16x2048xf32, #tpu.memory_space<vmem>>, vector<16xf32>,
      tpu.vector_store %arg5[%swap3A_431, %swap3A_432], %broadcast_in_dim3A_5 {strides = array<i32>} : memref<16x2048xf32, #tpu.memory_space<vmem>>, vector<16xf32>,
      %swap3A_434 = arith.index_cast %scan3A_338 : i32 to index
      %swap3A_435 = arith.constant 512 : index
      %swap3A_436 = tpu.vector_load %arg5[%swap3A_434, %swap3A_435] {strides = array<i32>} : memref<16x2048xf32, #tpu.memory_space<vmem>>, vector<16xf32>,
      tpu.vector_store %arg5[%swap3A_434, %swap3A_435], %broadcast_in_dim3A_5 {strides = array<i32>} : memref<16x2048xf32, #tpu.memory_space<vmem>>, vector<16xf32>,
      %swap3A_437 = arith.index_cast %scan3A_338 : i32 to index
      %swap3A_438 = arith.constant 528 : index
      %swap3A_439 = tpu.vector_load %arg5[%swap3A_437, %swap3A_438] {strides = array<i32>} : memref<16x2048xf32, #tpu.memory_space<vmem>>, vector<16xf32>,
      tpu.vector_store %arg5[%swap3A_437, %swap3A_438], %broadcast_in_dim3A_5 {strides = array<i32>} : memref<16x2048xf32, #tpu.memory_space<vmem>>, vector<16xf32>,
      %swap3A_440 = arith.index_cast %scan3A_338 : i32 to index
      %swap3A_441 = arith.constant 544 : index
      %swap3A_442 = tpu.vector_load %arg5[%swap3A_440, %swap3A_441] {strides = array<i32>} : memref<16x2048xf32, #tpu.memory_space<vmem>>, vector<16xf32>,
      tpu.vector_store %arg5[%swap3A_440, %swap3A_441], %broadcast_in_dim3A_5 {strides = array<i32>} : memref<16x2048xf32, #tpu.memory_space<vmem>>, vector<16xf32>,
      %swap3A_443 = arith.index_cast %scan3A_338 : i32 to index
      %swap3A_444 = arith.constant 560 : index
      %swap3A_445 = tpu.vector_load %arg5[%swap3A_443, %swap3A_444] {strides = array<i32>} : memref<16x2048xf32, #tpu.memory_space<vmem>>, vector<16xf32>,
      tpu.vector_store %arg5[%swap3A_443, %swap3A_444], %broadcast_in_dim3A_5 {strides = array<i32>} : memref<16x2048xf32, #tpu.memory_space<vmem>>, vector<16xf32>,
      %swap3A_446 = arith.index_cast %scan3A_338 : i32 to index
      %swap3A_447 = arith.constant 576 : index
      %swap3A_448 = tpu.vector_load %arg5[%swap3A_446, %swap3A_447] {strides = array<i32>} : memref<16x2048xf32, #tpu.memory_space<vmem>>, vector<16xf32>,
      tpu.vector_store %arg5[%swap3A_446, %swap3A_447], %broadcast_in_dim3A_5 {strides = array<i32>} : memref<16x2048xf32, #tpu.memory_space<vmem>>, vector<16xf32>,
      %swap3A_449 = arith.index_cast %scan3A_338 : i32 to index
      %swap3A_450 = arith.constant 592 : index
      %swap3A_451 = tpu.vector_load %arg5[%swap3A_449, %swap3A_450] {strides = array<i32>} : memref<16x2048xf32, #tpu.memory_space<vmem>>, vector<16xf32>,
      tpu.vector_store %arg5[%swap3A_449, %swap3A_450], %broadcast_in_dim3A_5 {strides = array<i32>} : memref<16x2048xf32, #tpu.memory_space<vmem>>, vector<16xf32>,
      %swap3A_452 = arith.index_cast %scan3A_338 : i32 to index
      %swap3A_453 = arith.constant 608 : index
      %swap3A_454 = tpu.vector_load %arg5[%swap3A_452, %swap3A_453] {strides = array<i32>} : memref<16x2048xf32, #tpu.memory_space<vmem>>, vector<16xf32>,
      tpu.vector_store %arg5[%swap3A_452, %swap3A_453], %broadcast_in_dim3A_5 {strides = array<i32>} : memref<16x2048xf32, #tpu.memory_space<vmem>>, vector<16xf32>,
      %swap3A_455 = arith.index_cast %scan3A_338 : i32 to index
      %swap3A_456 = arith.constant 624 : index
      %swap3A_457 = tpu.vector_load %arg5[%swap3A_455, %swap3A_456] {strides = array<i32>} : memref<16x2048xf32, #tpu.memory_space<vmem>>, vector<16xf32>,
      tpu.vector_store %arg5[%swap3A_455, %swap3A_456], %broadcast_in_dim3A_5 {strides = array<i32>} : memref<16x2048xf32, #tpu.memory_space<vmem>>, vector<16xf32>,
      %swap3A_458 = arith.index_cast %scan3A_338 : i32 to index
      %swap3A_459 = arith.constant 640 : index
      %swap3A_460 = tpu.vector_load %arg5[%swap3A_458, %swap3A_459] {strides = array<i32>} : memref<16x2048xf32, #tpu.memory_space<vmem>>, vector<16xf32>,
      tpu.vector_store %arg5[%swap3A_458, %swap3A_459], %broadcast_in_dim3A_5 {strides = array<i32>} : memref<16x2048xf32, #tpu.memory_space<vmem>>, vector<16xf32>,
      %swap3A_461 = arith.index_cast %scan3A_338 : i32 to index
      %swap3A_462 = arith.constant 656 : index
      %swap3A_463 = tpu.vector_load %arg5[%swap3A_461, %swap3A_462] {strides = array<i32>} : memref<16x2048xf32, #tpu.memory_space<vmem>>, vector<16xf32>,
      tpu.vector_store %arg5[%swap3A_461, %swap3A_462], %broadcast_in_dim3A_5 {strides = array<i32>} : memref<16x2048xf32, #tpu.memory_space<vmem>>, vector<16xf32>,
      %swap3A_464 = arith.index_cast %scan3A_338 : i32 to index
      %swap3A_465 = arith.constant 672 : index
      %swap3A_466 = tpu.vector_load %arg5[%swap3A_464, %swap3A_465] {strides = array<i32>} : memref<16x2048xf32, #tpu.memory_space<vmem>>, vector<16xf32>,
      tpu.vector_store %arg5[%swap3A_464, %swap3A_465], %broadcast_in_dim3A_5 {strides = array<i32>} : memref<16x2048xf32, #tpu.memory_space<vmem>>, vector<16xf32>,
      %swap3A_467 = arith.index_cast %scan3A_338 : i32 to index
      %swap3A_468 = arith.constant 688 : index
      %swap3A_469 = tpu.vector_load %arg5[%swap3A_467, %swap3A_468] {strides = array<i32>} : memref<16x2048xf32, #tpu.memory_space<vmem>>, vector<16xf32>,
      tpu.vector_store %arg5[%swap3A_467, %swap3A_468], %broadcast_in_dim3A_5 {strides = array<i32>} : memref<16x2048xf32, #tpu.memory_space<vmem>>, vector<16xf32>,
      %swap3A_470 = arith.index_cast %scan3A_338 : i32 to index
      %swap3A_471 = arith.constant 704 : index
      %swap3A_472 = tpu.vector_load %arg5[%swap3A_470, %swap3A_471] {strides = array<i32>} : memref<16x2048xf32, #tpu.memory_space<vmem>>, vector<16xf32>,
      tpu.vector_store %arg5[%swap3A_470, %swap3A_471], %broadcast_in_dim3A_5 {strides = array<i32>} : memref<16x2048xf32, #tpu.memory_space<vmem>>, vector<16xf32>,
      %swap3A_473 = arith.index_cast %scan3A_338 : i32 to index
      %swap3A_474 = arith.constant 720 : index
      %swap3A_475 = tpu.vector_load %arg5[%swap3A_473, %swap3A_474] {strides = array<i32>} : memref<16x2048xf32, #tpu.memory_space<vmem>>, vector<16xf32>,
      tpu.vector_store %arg5[%swap3A_473, %swap3A_474], %broadcast_in_dim3A_5 {strides = array<i32>} : memref<16x2048xf32, #tpu.memory_space<vmem>>, vector<16xf32>,
      %swap3A_476 = arith.index_cast %scan3A_338 : i32 to index
      %swap3A_477 = arith.constant 736 : index
      %swap3A_478 = tpu.vector_load %arg5[%swap3A_476, %swap3A_477] {strides = array<i32>} : memref<16x2048xf32, #tpu.memory_space<vmem>>, vector<16xf32>,
      tpu.vector_store %arg5[%swap3A_476, %swap3A_477], %broadcast_in_dim3A_5 {strides = array<i32>} : memref<16x2048xf32, #tpu.memory_space<vmem>>, vector<16xf32>,
      %swap3A_479 = arith.index_cast %scan3A_338 : i32 to index
      %swap3A_480 = arith.constant 752 : index
      %swap3A_481 = tpu.vector_load %arg5[%swap3A_479, %swap3A_480] {strides = array<i32>} : memref<16x2048xf32, #tpu.memory_space<vmem>>, vector<16xf32>,
      tpu.vector_store %arg5[%swap3A_479, %swap3A_480], %broadcast_in_dim3A_5 {strides = array<i32>} : memref<16x2048xf32, #tpu.memory_space<vmem>>, vector<16xf32>,
      %swap3A_482 = arith.index_cast %scan3A_338 : i32 to index
      %swap3A_483 = arith.constant 768 : index
      %swap3A_484 = tpu.vector_load %arg5[%swap3A_482, %swap3A_483] {strides = array<i32>} : memref<16x2048xf32, #tpu.memory_space<vmem>>, vector<16xf32>,
      tpu.vector_store %arg5[%swap3A_482, %swap3A_483], %broadcast_in_dim3A_5 {strides = array<i32>} : memref<16x2048xf32, #tpu.memory_space<vmem>>, vector<16xf32>,
      %swap3A_485 = arith.index_cast %scan3A_338 : i32 to index
      %swap3A_486 = arith.constant 784 : index
      %swap3A_487 = tpu.vector_load %arg5[%swap3A_485, %swap3A_486] {strides = array<i32>} : memref<16x2048xf32, #tpu.memory_space<vmem>>, vector<16xf32>,
      tpu.vector_store %arg5[%swap3A_485, %swap3A_486], %broadcast_in_dim3A_5 {strides = array<i32>} : memref<16x2048xf32, #tpu.memory_space<vmem>>, vector<16xf32>,
      %swap3A_488 = arith.index_cast %scan3A_338 : i32 to index
      %swap3A_489 = arith.constant 800 : index
      %swap3A_490 = tpu.vector_load %arg5[%swap3A_488, %swap3A_489] {strides = array<i32>} : memref<16x2048xf32, #tpu.memory_space<vmem>>, vector<16xf32>,
      tpu.vector_store %arg5[%swap3A_488, %swap3A_489], %broadcast_in_dim3A_5 {strides = array<i32>} : memref<16x2048xf32, #tpu.memory_space<vmem>>, vector<16xf32>,
      %swap3A_491 = arith.index_cast %scan3A_338 : i32 to index
      %swap3A_492 = arith.constant 816 : index
      %swap3A_493 = tpu.vector_load %arg5[%swap3A_491, %swap3A_492] {strides = array<i32>} : memref<16x2048xf32, #tpu.memory_space<vmem>>, vector<16xf32>,
      tpu.vector_store %arg5[%swap3A_491, %swap3A_492], %broadcast_in_dim3A_5 {strides = array<i32>} : memref<16x2048xf32, #tpu.memory_space<vmem>>, vector<16xf32>,
      %swap3A_494 = arith.index_cast %scan3A_338 : i32 to index
      %swap3A_495 = arith.constant 832 : index
      %swap3A_496 = tpu.vector_load %arg5[%swap3A_494, %swap3A_495] {strides = array<i32>} : memref<16x2048xf32, #tpu.memory_space<vmem>>, vector<16xf32>,
      tpu.vector_store %arg5[%swap3A_494, %swap3A_495], %broadcast_in_dim3A_5 {strides = array<i32>} : memref<16x2048xf32, #tpu.memory_space<vmem>>, vector<16xf32>,
      %swap3A_497 = arith.index_cast %scan3A_338 : i32 to index
      %swap3A_498 = arith.constant 848 : index
      %swap3A_499 = tpu.vector_load %arg5[%swap3A_497, %swap3A_498] {strides = array<i32>} : memref<16x2048xf32, #tpu.memory_space<vmem>>, vector<16xf32>,
      tpu.vector_store %arg5[%swap3A_497, %swap3A_498], %broadcast_in_dim3A_5 {strides = array<i32>} : memref<16x2048xf32, #tpu.memory_space<vmem>>, vector<16xf32>,
      %swap3A_500 = arith.index_cast %scan3A_338 : i32 to index
      %swap3A_501 = arith.constant 864 : index
      %swap3A_502 = tpu.vector_load %arg5[%swap3A_500, %swap3A_501] {strides = array<i32>} : memref<16x2048xf32, #tpu.memory_space<vmem>>, vector<16xf32>,
      tpu.vector_store %arg5[%swap3A_500, %swap3A_501], %broadcast_in_dim3A_5 {strides = array<i32>} : memref<16x2048xf32, #tpu.memory_space<vmem>>, vector<16xf32>,
      %swap3A_503 = arith.index_cast %scan3A_338 : i32 to index
      %swap3A_504 = arith.constant 880 : index
      %swap3A_505 = tpu.vector_load %arg5[%swap3A_503, %swap3A_504] {strides = array<i32>} : memref<16x2048xf32, #tpu.memory_space<vmem>>, vector<16xf32>,
      tpu.vector_store %arg5[%swap3A_503, %swap3A_504], %broadcast_in_dim3A_5 {strides = array<i32>} : memref<16x2048xf32, #tpu.memory_space<vmem>>, vector<16xf32>,
      %swap3A_506 = arith.index_cast %scan3A_338 : i32 to index
      %swap3A_507 = arith.constant 896 : index
      %swap3A_508 = tpu.vector_load %arg5[%swap3A_506, %swap3A_507] {strides = array<i32>} : memref<16x2048xf32, #tpu.memory_space<vmem>>, vector<16xf32>,
      tpu.vector_store %arg5[%swap3A_506, %swap3A_507], %broadcast_in_dim3A_5 {strides = array<i32>} : memref<16x2048xf32, #tpu.memory_space<vmem>>, vector<16xf32>,
      %swap3A_509 = arith.index_cast %scan3A_338 : i32 to index
      %swap3A_510 = arith.constant 912 : index
      %swap3A_511 = tpu.vector_load %arg5[%swap3A_509, %swap3A_510] {strides = array<i32>} : memref<16x2048xf32, #tpu.memory_space<vmem>>, vector<16xf32>,
      tpu.vector_store %arg5[%swap3A_509, %swap3A_510], %broadcast_in_dim3A_5 {strides = array<i32>} : memref<16x2048xf32, #tpu.memory_space<vmem>>, vector<16xf32>,
      %swap3A_512 = arith.index_cast %scan3A_338 : i32 to index
      %swap3A_513 = arith.constant 928 : index
      %swap3A_514 = tpu.vector_load %arg5[%swap3A_512, %swap3A_513] {strides = array<i32>} : memref<16x2048xf32, #tpu.memory_space<vmem>>, vector<16xf32>,
      tpu.vector_store %arg5[%swap3A_512, %swap3A_513], %broadcast_in_dim3A_5 {strides = array<i32>} : memref<16x2048xf32, #tpu.memory_space<vmem>>, vector<16xf32>,
      %swap3A_515 = arith.index_cast %scan3A_338 : i32 to index
      %swap3A_516 = arith.constant 944 : index
      %swap3A_517 = tpu.vector_load %arg5[%swap3A_515, %swap3A_516] {strides = array<i32>} : memref<16x2048xf32, #tpu.memory_space<vmem>>, vector<16xf32>,
      tpu.vector_store %arg5[%swap3A_515, %swap3A_516], %broadcast_in_dim3A_5 {strides = array<i32>} : memref<16x2048xf32, #tpu.memory_space<vmem>>, vector<16xf32>,
      %swap3A_518 = arith.index_cast %scan3A_338 : i32 to index
      %swap3A_519 = arith.constant 960 : index
      %swap3A_520 = tpu.vector_load %arg5[%swap3A_518, %swap3A_519] {strides = array<i32>} : memref<16x2048xf32, #tpu.memory_space<vmem>>, vector<16xf32>,
      tpu.vector_store %arg5[%swap3A_518, %swap3A_519], %broadcast_in_dim3A_5 {strides = array<i32>} : memref<16x2048xf32, #tpu.memory_space<vmem>>, vector<16xf32>,
      %swap3A_521 = arith.index_cast %scan3A_338 : i32 to index
      %swap3A_522 = arith.constant 976 : index
      %swap3A_523 = tpu.vector_load %arg5[%swap3A_521, %swap3A_522] {strides = array<i32>} : memref<16x2048xf32, #tpu.memory_space<vmem>>, vector<16xf32>,
      tpu.vector_store %arg5[%swap3A_521, %swap3A_522], %broadcast_in_dim3A_5 {strides = array<i32>} : memref<16x2048xf32, #tpu.memory_space<vmem>>, vector<16xf32>,
      %swap3A_524 = arith.index_cast %scan3A_338 : i32 to index
      %swap3A_525 = arith.constant 992 : index
      %swap3A_526 = tpu.vector_load %arg5[%swap3A_524, %swap3A_525] {strides = array<i32>} : memref<16x2048xf32, #tpu.memory_space<vmem>>, vector<16xf32>,
      tpu.vector_store %arg5[%swap3A_524, %swap3A_525], %broadcast_in_dim3A_5 {strides = array<i32>} : memref<16x2048xf32, #tpu.memory_space<vmem>>, vector<16xf32>,
      %swap3A_527 = arith.index_cast %scan3A_338 : i32 to index
      %swap3A_528 = arith.constant 1008 : index
      %swap3A_529 = tpu.vector_load %arg5[%swap3A_527, %swap3A_528] {strides = array<i32>} : memref<16x2048xf32, #tpu.memory_space<vmem>>, vector<16xf32>,
      tpu.vector_store %arg5[%swap3A_527, %swap3A_528], %broadcast_in_dim3A_5 {strides = array<i32>} : memref<16x2048xf32, #tpu.memory_space<vmem>>, vector<16xf32>,
      %swap3A_530 = arith.index_cast %scan3A_338 : i32 to index
      %swap3A_531 = arith.constant 1024 : index
      %swap3A_532 = tpu.vector_load %arg5[%swap3A_530, %swap3A_531] {strides = array<i32>} : memref<16x2048xf32, #tpu.memory_space<vmem>>, vector<16xf32>,
      tpu.vector_store %arg5[%swap3A_530, %swap3A_531], %broadcast_in_dim3A_5 {strides = array<i32>} : memref<16x2048xf32, #tpu.memory_space<vmem>>, vector<16xf32>,
      %swap3A_533 = arith.index_cast %scan3A_338 : i32 to index
      %swap3A_534 = arith.constant 1040 : index
      %swap3A_535 = tpu.vector_load %arg5[%swap3A_533, %swap3A_534] {strides = array<i32>} : memref<16x2048xf32, #tpu.memory_space<vmem>>, vector<16xf32>,
      tpu.vector_store %arg5[%swap3A_533, %swap3A_534], %broadcast_in_dim3A_5 {strides = array<i32>} : memref<16x2048xf32, #tpu.memory_space<vmem>>, vector<16xf32>,
      %swap3A_536 = arith.index_cast %scan3A_338 : i32 to index
      %swap3A_537 = arith.constant 1056 : index
      %swap3A_538 = tpu.vector_load %arg5[%swap3A_536, %swap3A_537] {strides = array<i32>} : memref<16x2048xf32, #tpu.memory_space<vmem>>, vector<16xf32>,
      tpu.vector_store %arg5[%swap3A_536, %swap3A_537], %broadcast_in_dim3A_5 {strides = array<i32>} : memref<16x2048xf32, #tpu.memory_space<vmem>>, vector<16xf32>,
      %swap3A_539 = arith.index_cast %scan3A_338 : i32 to index
      %swap3A_540 = arith.constant 1072 : index
      %swap3A_541 = tpu.vector_load %arg5[%swap3A_539, %swap3A_540] {strides = array<i32>} : memref<16x2048xf32, #tpu.memory_space<vmem>>, vector<16xf32>,
      tpu.vector_store %arg5[%swap3A_539, %swap3A_540], %broadcast_in_dim3A_5 {strides = array<i32>} : memref<16x2048xf32, #tpu.memory_space<vmem>>, vector<16xf32>,
      %swap3A_542 = arith.index_cast %scan3A_338 : i32 to index
      %swap3A_543 = arith.constant 1088 : index
      %swap3A_544 = tpu.vector_load %arg5[%swap3A_542, %swap3A_543] {strides = array<i32>} : memref<16x2048xf32, #tpu.memory_space<vmem>>, vector<16xf32>,
      tpu.vector_store %arg5[%swap3A_542, %swap3A_543], %broadcast_in_dim3A_5 {strides = array<i32>} : memref<16x2048xf32, #tpu.memory_space<vmem>>, vector<16xf32>,
      %swap3A_545 = arith.index_cast %scan3A_338 : i32 to index
      %swap3A_546 = arith.constant 1104 : index
      %swap3A_547 = tpu.vector_load %arg5[%swap3A_545, %swap3A_546] {strides = array<i32>} : memref<16x2048xf32, #tpu.memory_space<vmem>>, vector<16xf32>,
      tpu.vector_store %arg5[%swap3A_545, %swap3A_546], %broadcast_in_dim3A_5 {strides = array<i32>} : memref<16x2048xf32, #tpu.memory_space<vmem>>, vector<16xf32>,
      %swap3A_548 = arith.index_cast %scan3A_338 : i32 to index
      %swap3A_549 = arith.constant 1120 : index
      %swap3A_550 = tpu.vector_load %arg5[%swap3A_548, %swap3A_549] {strides = array<i32>} : memref<16x2048xf32, #tpu.memory_space<vmem>>, vector<16xf32>,
      tpu.vector_store %arg5[%swap3A_548, %swap3A_549], %broadcast_in_dim3A_5 {strides = array<i32>} : memref<16x2048xf32, #tpu.memory_space<vmem>>, vector<16xf32>,
      %swap3A_551 = arith.index_cast %scan3A_338 : i32 to index
      %swap3A_552 = arith.constant 1136 : index
      %swap3A_553 = tpu.vector_load %arg5[%swap3A_551, %swap3A_552] {strides = array<i32>} : memref<16x2048xf32, #tpu.memory_space<vmem>>, vector<16xf32>,
      tpu.vector_store %arg5[%swap3A_551, %swap3A_552], %broadcast_in_dim3A_5 {strides = array<i32>} : memref<16x2048xf32, #tpu.memory_space<vmem>>, vector<16xf32>,
      %swap3A_554 = arith.index_cast %scan3A_338 : i32 to index
      %swap3A_555 = arith.constant 1152 : index
      %swap3A_556 = tpu.vector_load %arg5[%swap3A_554, %swap3A_555] {strides = array<i32>} : memref<16x2048xf32, #tpu.memory_space<vmem>>, vector<16xf32>,
      tpu.vector_store %arg5[%swap3A_554, %swap3A_555], %broadcast_in_dim3A_5 {strides = array<i32>} : memref<16x2048xf32, #tpu.memory_space<vmem>>, vector<16xf32>,
      %swap3A_557 = arith.index_cast %scan3A_338 : i32 to index
      %swap3A_558 = arith.constant 1168 : index
      %swap3A_559 = tpu.vector_load %arg5[%swap3A_557, %swap3A_558] {strides = array<i32>} : memref<16x2048xf32, #tpu.memory_space<vmem>>, vector<16xf32>,
      tpu.vector_store %arg5[%swap3A_557, %swap3A_558], %broadcast_in_dim3A_5 {strides = array<i32>} : memref<16x2048xf32, #tpu.memory_space<vmem>>, vector<16xf32>,
      %swap3A_560 = arith.index_cast %scan3A_338 : i32 to index
      %swap3A_561 = arith.constant 1184 : index
      %swap3A_562 = tpu.vector_load %arg5[%swap3A_560, %swap3A_561] {strides = array<i32>} : memref<16x2048xf32, #tpu.memory_space<vmem>>, vector<16xf32>,
      tpu.vector_store %arg5[%swap3A_560, %swap3A_561], %broadcast_in_dim3A_5 {strides = array<i32>} : memref<16x2048xf32, #tpu.memory_space<vmem>>, vector<16xf32>,
      %swap3A_563 = arith.index_cast %scan3A_338 : i32 to index
      %swap3A_564 = arith.constant 1200 : index
      %swap3A_565 = tpu.vector_load %arg5[%swap3A_563, %swap3A_564] {strides = array<i32>} : memref<16x2048xf32, #tpu.memory_space<vmem>>, vector<16xf32>,
      tpu.vector_store %arg5[%swap3A_563, %swap3A_564], %broadcast_in_dim3A_5 {strides = array<i32>} : memref<16x2048xf32, #tpu.memory_space<vmem>>, vector<16xf32>,
      %swap3A_566 = arith.index_cast %scan3A_338 : i32 to index
      %swap3A_567 = arith.constant 1216 : index
      %swap3A_568 = tpu.vector_load %arg5[%swap3A_566, %swap3A_567] {strides = array<i32>} : memref<16x2048xf32, #tpu.memory_space<vmem>>, vector<16xf32>,
      tpu.vector_store %arg5[%swap3A_566, %swap3A_567], %broadcast_in_dim3A_5 {strides = array<i32>} : memref<16x2048xf32, #tpu.memory_space<vmem>>, vector<16xf32>,
      %swap3A_569 = arith.index_cast %scan3A_338 : i32 to index
      %swap3A_570 = arith.constant 1232 : index
      %swap3A_571 = tpu.vector_load %arg5[%swap3A_569, %swap3A_570] {strides = array<i32>} : memref<16x2048xf32, #tpu.memory_space<vmem>>, vector<16xf32>,
      tpu.vector_store %arg5[%swap3A_569, %swap3A_570], %broadcast_in_dim3A_5 {strides = array<i32>} : memref<16x2048xf32, #tpu.memory_space<vmem>>, vector<16xf32>,
      %swap3A_572 = arith.index_cast %scan3A_338 : i32 to index
      %swap3A_573 = arith.constant 1248 : index
      %swap3A_574 = tpu.vector_load %arg5[%swap3A_572, %swap3A_573] {strides = array<i32>} : memref<16x2048xf32, #tpu.memory_space<vmem>>, vector<16xf32>,
      tpu.vector_store %arg5[%swap3A_572, %swap3A_573], %broadcast_in_dim3A_5 {strides = array<i32>} : memref<16x2048xf32, #tpu.memory_space<vmem>>, vector<16xf32>,
      %swap3A_575 = arith.index_cast %scan3A_338 : i32 to index
      %swap3A_576 = arith.constant 1264 : index
      %swap3A_577 = tpu.vector_load %arg5[%swap3A_575, %swap3A_576] {strides = array<i32>} : memref<16x2048xf32, #tpu.memory_space<vmem>>, vector<16xf32>,
      tpu.vector_store %arg5[%swap3A_575, %swap3A_576], %broadcast_in_dim3A_5 {strides = array<i32>} : memref<16x2048xf32, #tpu.memory_space<vmem>>, vector<16xf32>,
      %swap3A_578 = arith.index_cast %scan3A_338 : i32 to index
      %swap3A_579 = arith.constant 1280 : index
      %swap3A_580 = tpu.vector_load %arg5[%swap3A_578, %swap3A_579] {strides = array<i32>} : memref<16x2048xf32, #tpu.memory_space<vmem>>, vector<16xf32>,
      tpu.vector_store %arg5[%swap3A_578, %swap3A_579], %broadcast_in_dim3A_5 {strides = array<i32>} : memref<16x2048xf32, #tpu.memory_space<vmem>>, vector<16xf32>,
      %swap3A_581 = arith.index_cast %scan3A_338 : i32 to index
      %swap3A_582 = arith.constant 1296 : index
      %swap3A_583 = tpu.vector_load %arg5[%swap3A_581, %swap3A_582] {strides = array<i32>} : memref<16x2048xf32, #tpu.memory_space<vmem>>, vector<16xf32>,
      tpu.vector_store %arg5[%swap3A_581, %swap3A_582], %broadcast_in_dim3A_5 {strides = array<i32>} : memref<16x2048xf32, #tpu.memory_space<vmem>>, vector<16xf32>,
      %swap3A_584 = arith.index_cast %scan3A_338 : i32 to index
      %swap3A_585 = arith.constant 1312 : index
      %swap3A_586 = tpu.vector_load %arg5[%swap3A_584, %swap3A_585] {strides = array<i32>} : memref<16x2048xf32, #tpu.memory_space<vmem>>, vector<16xf32>,
      tpu.vector_store %arg5[%swap3A_584, %swap3A_585], %broadcast_in_dim3A_5 {strides = array<i32>} : memref<16x2048xf32, #tpu.memory_space<vmem>>, vector<16xf32>,
      %swap3A_587 = arith.index_cast %scan3A_338 : i32 to index
      %swap3A_588 = arith.constant 1328 : index
      %swap3A_589 = tpu.vector_load %arg5[%swap3A_587, %swap3A_588] {strides = array<i32>} : memref<16x2048xf32, #tpu.memory_space<vmem>>, vector<16xf32>,
      tpu.vector_store %arg5[%swap3A_587, %swap3A_588], %broadcast_in_dim3A_5 {strides = array<i32>} : memref<16x2048xf32, #tpu.memory_space<vmem>>, vector<16xf32>,
      %swap3A_590 = arith.index_cast %scan3A_338 : i32 to index
      %swap3A_591 = arith.constant 1344 : index
      %swap3A_592 = tpu.vector_load %arg5[%swap3A_590, %swap3A_591] {strides = array<i32>} : memref<16x2048xf32, #tpu.memory_space<vmem>>, vector<16xf32>,
      tpu.vector_store %arg5[%swap3A_590, %swap3A_591], %broadcast_in_dim3A_5 {strides = array<i32>} : memref<16x2048xf32, #tpu.memory_space<vmem>>, vector<16xf32>,
      %swap3A_593 = arith.index_cast %scan3A_338 : i32 to index
      %swap3A_594 = arith.constant 1360 : index
      %swap3A_595 = tpu.vector_load %arg5[%swap3A_593, %swap3A_594] {strides = array<i32>} : memref<16x2048xf32, #tpu.memory_space<vmem>>, vector<16xf32>,
      tpu.vector_store %arg5[%swap3A_593, %swap3A_594], %broadcast_in_dim3A_5 {strides = array<i32>} : memref<16x2048xf32, #tpu.memory_space<vmem>>, vector<16xf32>,
      %swap3A_596 = arith.index_cast %scan3A_338 : i32 to index
      %swap3A_597 = arith.constant 1376 : index
      %swap3A_598 = tpu.vector_load %arg5[%swap3A_596, %swap3A_597] {strides = array<i32>} : memref<16x2048xf32, #tpu.memory_space<vmem>>, vector<16xf32>,
      tpu.vector_store %arg5[%swap3A_596, %swap3A_597], %broadcast_in_dim3A_5 {strides = array<i32>} : memref<16x2048xf32, #tpu.memory_space<vmem>>, vector<16xf32>,
      %swap3A_599 = arith.index_cast %scan3A_338 : i32 to index
      %swap3A_600 = arith.constant 1392 : index
      %swap3A_601 = tpu.vector_load %arg5[%swap3A_599, %swap3A_600] {strides = array<i32>} : memref<16x2048xf32, #tpu.memory_space<vmem>>, vector<16xf32>,
      tpu.vector_store %arg5[%swap3A_599, %swap3A_600], %broadcast_in_dim3A_5 {strides = array<i32>} : memref<16x2048xf32, #tpu.memory_space<vmem>>, vector<16xf32>,
      %swap3A_602 = arith.index_cast %scan3A_338 : i32 to index
      %swap3A_603 = arith.constant 1408 : index
      %swap3A_604 = tpu.vector_load %arg5[%swap3A_602, %swap3A_603] {strides = array<i32>} : memref<16x2048xf32, #tpu.memory_space<vmem>>, vector<16xf32>,
      tpu.vector_store %arg5[%swap3A_602, %swap3A_603], %broadcast_in_dim3A_5 {strides = array<i32>} : memref<16x2048xf32, #tpu.memory_space<vmem>>, vector<16xf32>,
      %swap3A_605 = arith.index_cast %scan3A_338 : i32 to index
      %swap3A_606 = arith.constant 1424 : index
      %swap3A_607 = tpu.vector_load %arg5[%swap3A_605, %swap3A_606] {strides = array<i32>} : memref<16x2048xf32, #tpu.memory_space<vmem>>, vector<16xf32>,
      tpu.vector_store %arg5[%swap3A_605, %swap3A_606], %broadcast_in_dim3A_5 {strides = array<i32>} : memref<16x2048xf32, #tpu.memory_space<vmem>>, vector<16xf32>,
      %swap3A_608 = arith.index_cast %scan3A_338 : i32 to index
      %swap3A_609 = arith.constant 1440 : index
      %swap3A_610 = tpu.vector_load %arg5[%swap3A_608, %swap3A_609] {strides = array<i32>} : memref<16x2048xf32, #tpu.memory_space<vmem>>, vector<16xf32>,
      tpu.vector_store %arg5[%swap3A_608, %swap3A_609], %broadcast_in_dim3A_5 {strides = array<i32>} : memref<16x2048xf32, #tpu.memory_space<vmem>>, vector<16xf32>,
      %swap3A_611 = arith.index_cast %scan3A_338 : i32 to index
      %swap3A_612 = arith.constant 1456 : index
      %swap3A_613 = tpu.vector_load %arg5[%swap3A_611, %swap3A_612] {strides = array<i32>} : memref<16x2048xf32, #tpu.memory_space<vmem>>, vector<16xf32>,
      tpu.vector_store %arg5[%swap3A_611, %swap3A_612], %broadcast_in_dim3A_5 {strides = array<i32>} : memref<16x2048xf32, #tpu.memory_space<vmem>>, vector<16xf32>,
      %swap3A_614 = arith.index_cast %scan3A_338 : i32 to index
      %swap3A_615 = arith.constant 1472 : index
      %swap3A_616 = tpu.vector_load %arg5[%swap3A_614, %swap3A_615] {strides = array<i32>} : memref<16x2048xf32, #tpu.memory_space<vmem>>, vector<16xf32>,
      tpu.vector_store %arg5[%swap3A_614, %swap3A_615], %broadcast_in_dim3A_5 {strides = array<i32>} : memref<16x2048xf32, #tpu.memory_space<vmem>>, vector<16xf32>,
      %swap3A_617 = arith.index_cast %scan3A_338 : i32 to index
      %swap3A_618 = arith.constant 1488 : index
      %swap3A_619 = tpu.vector_load %arg5[%swap3A_617, %swap3A_618] {strides = array<i32>} : memref<16x2048xf32, #tpu.memory_space<vmem>>, vector<16xf32>,
      tpu.vector_store %arg5[%swap3A_617, %swap3A_618], %broadcast_in_dim3A_5 {strides = array<i32>} : memref<16x2048xf32, #tpu.memory_space<vmem>>, vector<16xf32>,
      %swap3A_620 = arith.index_cast %scan3A_338 : i32 to index
      %swap3A_621 = arith.constant 1504 : index
      %swap3A_622 = tpu.vector_load %arg5[%swap3A_620, %swap3A_621] {strides = array<i32>} : memref<16x2048xf32, #tpu.memory_space<vmem>>, vector<16xf32>,
      tpu.vector_store %arg5[%swap3A_620, %swap3A_621], %broadcast_in_dim3A_5 {strides = array<i32>} : memref<16x2048xf32, #tpu.memory_space<vmem>>, vector<16xf32>,
      %swap3A_623 = arith.index_cast %scan3A_338 : i32 to index
      %swap3A_624 = arith.constant 1520 : index
      %swap3A_625 = tpu.vector_load %arg5[%swap3A_623, %swap3A_624] {strides = array<i32>} : memref<16x2048xf32, #tpu.memory_space<vmem>>, vector<16xf32>,
      tpu.vector_store %arg5[%swap3A_623, %swap3A_624], %broadcast_in_dim3A_5 {strides = array<i32>} : memref<16x2048xf32, #tpu.memory_space<vmem>>, vector<16xf32>,
      %swap3A_626 = arith.index_cast %scan3A_338 : i32 to index
      %swap3A_627 = arith.constant 1536 : index
      %swap3A_628 = tpu.vector_load %arg5[%swap3A_626, %swap3A_627] {strides = array<i32>} : memref<16x2048xf32, #tpu.memory_space<vmem>>, vector<16xf32>,
      tpu.vector_store %arg5[%swap3A_626, %swap3A_627], %broadcast_in_dim3A_5 {strides = array<i32>} : memref<16x2048xf32, #tpu.memory_space<vmem>>, vector<16xf32>,
      %swap3A_629 = arith.index_cast %scan3A_338 : i32 to index
      %swap3A_630 = arith.constant 1552 : index
      %swap3A_631 = tpu.vector_load %arg5[%swap3A_629, %swap3A_630] {strides = array<i32>} : memref<16x2048xf32, #tpu.memory_space<vmem>>, vector<16xf32>,
      tpu.vector_store %arg5[%swap3A_629, %swap3A_630], %broadcast_in_dim3A_5 {strides = array<i32>} : memref<16x2048xf32, #tpu.memory_space<vmem>>, vector<16xf32>,
      %swap3A_632 = arith.index_cast %scan3A_338 : i32 to index
      %swap3A_633 = arith.constant 1568 : index
      %swap3A_634 = tpu.vector_load %arg5[%swap3A_632, %swap3A_633] {strides = array<i32>} : memref<16x2048xf32, #tpu.memory_space<vmem>>, vector<16xf32>,
      tpu.vector_store %arg5[%swap3A_632, %swap3A_633], %broadcast_in_dim3A_5 {strides = array<i32>} : memref<16x2048xf32, #tpu.memory_space<vmem>>, vector<16xf32>,
      %swap3A_635 = arith.index_cast %scan3A_338 : i32 to index
      %swap3A_636 = arith.constant 1584 : index
      %swap3A_637 = tpu.vector_load %arg5[%swap3A_635, %swap3A_636] {strides = array<i32>} : memref<16x2048xf32, #tpu.memory_space<vmem>>, vector<16xf32>,
      tpu.vector_store %arg5[%swap3A_635, %swap3A_636], %broadcast_in_dim3A_5 {strides = array<i32>} : memref<16x2048xf32, #tpu.memory_space<vmem>>, vector<16xf32>,
      %swap3A_638 = arith.index_cast %scan3A_338 : i32 to index
      %swap3A_639 = arith.constant 1600 : index
      %swap3A_640 = tpu.vector_load %arg5[%swap3A_638, %swap3A_639] {strides = array<i32>} : memref<16x2048xf32, #tpu.memory_space<vmem>>, vector<16xf32>,
      tpu.vector_store %arg5[%swap3A_638, %swap3A_639], %broadcast_in_dim3A_5 {strides = array<i32>} : memref<16x2048xf32, #tpu.memory_space<vmem>>, vector<16xf32>,
      %swap3A_641 = arith.index_cast %scan3A_338 : i32 to index
      %swap3A_642 = arith.constant 1616 : index
      %swap3A_643 = tpu.vector_load %arg5[%swap3A_641, %swap3A_642] {strides = array<i32>} : memref<16x2048xf32, #tpu.memory_space<vmem>>, vector<16xf32>,
      tpu.vector_store %arg5[%swap3A_641, %swap3A_642], %broadcast_in_dim3A_5 {strides = array<i32>} : memref<16x2048xf32, #tpu.memory_space<vmem>>, vector<16xf32>,
      %swap3A_644 = arith.index_cast %scan3A_338 : i32 to index
      %swap3A_645 = arith.constant 1632 : index
      %swap3A_646 = tpu.vector_load %arg5[%swap3A_644, %swap3A_645] {strides = array<i32>} : memref<16x2048xf32, #tpu.memory_space<vmem>>, vector<16xf32>,
      tpu.vector_store %arg5[%swap3A_644, %swap3A_645], %broadcast_in_dim3A_5 {strides = array<i32>} : memref<16x2048xf32, #tpu.memory_space<vmem>>, vector<16xf32>,
      %swap3A_647 = arith.index_cast %scan3A_338 : i32 to index
      %swap3A_648 = arith.constant 1648 : index
      %swap3A_649 = tpu.vector_load %arg5[%swap3A_647, %swap3A_648] {strides = array<i32>} : memref<16x2048xf32, #tpu.memory_space<vmem>>, vector<16xf32>,
      tpu.vector_store %arg5[%swap3A_647, %swap3A_648], %broadcast_in_dim3A_5 {strides = array<i32>} : memref<16x2048xf32, #tpu.memory_space<vmem>>, vector<16xf32>,
      %swap3A_650 = arith.index_cast %scan3A_338 : i32 to index
      %swap3A_651 = arith.constant 1664 : index
      %swap3A_652 = tpu.vector_load %arg5[%swap3A_650, %swap3A_651] {strides = array<i32>} : memref<16x2048xf32, #tpu.memory_space<vmem>>, vector<16xf32>,
      tpu.vector_store %arg5[%swap3A_650, %swap3A_651], %broadcast_in_dim3A_5 {strides = array<i32>} : memref<16x2048xf32, #tpu.memory_space<vmem>>, vector<16xf32>,
      %swap3A_653 = arith.index_cast %scan3A_338 : i32 to index
      %swap3A_654 = arith.constant 1680 : index
      %swap3A_655 = tpu.vector_load %arg5[%swap3A_653, %swap3A_654] {strides = array<i32>} : memref<16x2048xf32, #tpu.memory_space<vmem>>, vector<16xf32>,
      tpu.vector_store %arg5[%swap3A_653, %swap3A_654], %broadcast_in_dim3A_5 {strides = array<i32>} : memref<16x2048xf32, #tpu.memory_space<vmem>>, vector<16xf32>,
      %swap3A_656 = arith.index_cast %scan3A_338 : i32 to index
      %swap3A_657 = arith.constant 1696 : index
      %swap3A_658 = tpu.vector_load %arg5[%swap3A_656, %swap3A_657] {strides = array<i32>} : memref<16x2048xf32, #tpu.memory_space<vmem>>, vector<16xf32>,
      tpu.vector_store %arg5[%swap3A_656, %swap3A_657], %broadcast_in_dim3A_5 {strides = array<i32>} : memref<16x2048xf32, #tpu.memory_space<vmem>>, vector<16xf32>,
      %swap3A_659 = arith.index_cast %scan3A_338 : i32 to index
      %swap3A_660 = arith.constant 1712 : index
      %swap3A_661 = tpu.vector_load %arg5[%swap3A_659, %swap3A_660] {strides = array<i32>} : memref<16x2048xf32, #tpu.memory_space<vmem>>, vector<16xf32>,
      tpu.vector_store %arg5[%swap3A_659, %swap3A_660], %broadcast_in_dim3A_5 {strides = array<i32>} : memref<16x2048xf32, #tpu.memory_space<vmem>>, vector<16xf32>,
      %swap3A_662 = arith.index_cast %scan3A_338 : i32 to index
      %swap3A_663 = arith.constant 1728 : index
      %swap3A_664 = tpu.vector_load %arg5[%swap3A_662, %swap3A_663] {strides = array<i32>} : memref<16x2048xf32, #tpu.memory_space<vmem>>, vector<16xf32>,
      tpu.vector_store %arg5[%swap3A_662, %swap3A_663], %broadcast_in_dim3A_5 {strides = array<i32>} : memref<16x2048xf32, #tpu.memory_space<vmem>>, vector<16xf32>,
      %swap3A_665 = arith.index_cast %scan3A_338 : i32 to index
      %swap3A_666 = arith.constant 1744 : index
      %swap3A_667 = tpu.vector_load %arg5[%swap3A_665, %swap3A_666] {strides = array<i32>} : memref<16x2048xf32, #tpu.memory_space<vmem>>, vector<16xf32>,
      tpu.vector_store %arg5[%swap3A_665, %swap3A_666], %broadcast_in_dim3A_5 {strides = array<i32>} : memref<16x2048xf32, #tpu.memory_space<vmem>>, vector<16xf32>,
      %swap3A_668 = arith.index_cast %scan3A_338 : i32 to index
      %swap3A_669 = arith.constant 1760 : index
      %swap3A_670 = tpu.vector_load %arg5[%swap3A_668, %swap3A_669] {strides = array<i32>} : memref<16x2048xf32, #tpu.memory_space<vmem>>, vector<16xf32>,
      tpu.vector_store %arg5[%swap3A_668, %swap3A_669], %broadcast_in_dim3A_5 {strides = array<i32>} : memref<16x2048xf32, #tpu.memory_space<vmem>>, vector<16xf32>,
      %swap3A_671 = arith.index_cast %scan3A_338 : i32 to index
      %swap3A_672 = arith.constant 1776 : index
      %swap3A_673 = tpu.vector_load %arg5[%swap3A_671, %swap3A_672] {strides = array<i32>} : memref<16x2048xf32, #tpu.memory_space<vmem>>, vector<16xf32>,
      tpu.vector_store %arg5[%swap3A_671, %swap3A_672], %broadcast_in_dim3A_5 {strides = array<i32>} : memref<16x2048xf32, #tpu.memory_space<vmem>>, vector<16xf32>,
      %swap3A_674 = arith.index_cast %scan3A_338 : i32 to index
      %swap3A_675 = arith.constant 1792 : index
      %swap3A_676 = tpu.vector_load %arg5[%swap3A_674, %swap3A_675] {strides = array<i32>} : memref<16x2048xf32, #tpu.memory_space<vmem>>, vector<16xf32>,
      tpu.vector_store %arg5[%swap3A_674, %swap3A_675], %broadcast_in_dim3A_5 {strides = array<i32>} : memref<16x2048xf32, #tpu.memory_space<vmem>>, vector<16xf32>,
      %swap3A_677 = arith.index_cast %scan3A_338 : i32 to index
      %swap3A_678 = arith.constant 1808 : index
      %swap3A_679 = tpu.vector_load %arg5[%swap3A_677, %swap3A_678] {strides = array<i32>} : memref<16x2048xf32, #tpu.memory_space<vmem>>, vector<16xf32>,
      tpu.vector_store %arg5[%swap3A_677, %swap3A_678], %broadcast_in_dim3A_5 {strides = array<i32>} : memref<16x2048xf32, #tpu.memory_space<vmem>>, vector<16xf32>,
      %swap3A_680 = arith.index_cast %scan3A_338 : i32 to index
      %swap3A_681 = arith.constant 1824 : index
      %swap3A_682 = tpu.vector_load %arg5[%swap3A_680, %swap3A_681] {strides = array<i32>} : memref<16x2048xf32, #tpu.memory_space<vmem>>, vector<16xf32>,
      tpu.vector_store %arg5[%swap3A_680, %swap3A_681], %broadcast_in_dim3A_5 {strides = array<i32>} : memref<16x2048xf32, #tpu.memory_space<vmem>>, vector<16xf32>,
      %swap3A_683 = arith.index_cast %scan3A_338 : i32 to index
      %swap3A_684 = arith.constant 1840 : index
      %swap3A_685 = tpu.vector_load %arg5[%swap3A_683, %swap3A_684] {strides = array<i32>} : memref<16x2048xf32, #tpu.memory_space<vmem>>, vector<16xf32>,
      tpu.vector_store %arg5[%swap3A_683, %swap3A_684], %broadcast_in_dim3A_5 {strides = array<i32>} : memref<16x2048xf32, #tpu.memory_space<vmem>>, vector<16xf32>,
      %swap3A_686 = arith.index_cast %scan3A_338 : i32 to index
      %swap3A_687 = arith.constant 1856 : index
      %swap3A_688 = tpu.vector_load %arg5[%swap3A_686, %swap3A_687] {strides = array<i32>} : memref<16x2048xf32, #tpu.memory_space<vmem>>, vector<16xf32>,
      tpu.vector_store %arg5[%swap3A_686, %swap3A_687], %broadcast_in_dim3A_5 {strides = array<i32>} : memref<16x2048xf32, #tpu.memory_space<vmem>>, vector<16xf32>,
      %swap3A_689 = arith.index_cast %scan3A_338 : i32 to index
      %swap3A_690 = arith.constant 1872 : index
      %swap3A_691 = tpu.vector_load %arg5[%swap3A_689, %swap3A_690] {strides = array<i32>} : memref<16x2048xf32, #tpu.memory_space<vmem>>, vector<16xf32>,
      tpu.vector_store %arg5[%swap3A_689, %swap3A_690], %broadcast_in_dim3A_5 {strides = array<i32>} : memref<16x2048xf32, #tpu.memory_space<vmem>>, vector<16xf32>,
      %swap3A_692 = arith.index_cast %scan3A_338 : i32 to index
      %swap3A_693 = arith.constant 1888 : index
      %swap3A_694 = tpu.vector_load %arg5[%swap3A_692, %swap3A_693] {strides = array<i32>} : memref<16x2048xf32, #tpu.memory_space<vmem>>, vector<16xf32>,
      tpu.vector_store %arg5[%swap3A_692, %swap3A_693], %broadcast_in_dim3A_5 {strides = array<i32>} : memref<16x2048xf32, #tpu.memory_space<vmem>>, vector<16xf32>,
      %swap3A_695 = arith.index_cast %scan3A_338 : i32 to index
      %swap3A_696 = arith.constant 1904 : index
      %swap3A_697 = tpu.vector_load %arg5[%swap3A_695, %swap3A_696] {strides = array<i32>} : memref<16x2048xf32, #tpu.memory_space<vmem>>, vector<16xf32>,
      tpu.vector_store %arg5[%swap3A_695, %swap3A_696], %broadcast_in_dim3A_5 {strides = array<i32>} : memref<16x2048xf32, #tpu.memory_space<vmem>>, vector<16xf32>,
      %swap3A_698 = arith.index_cast %scan3A_338 : i32 to index
      %swap3A_699 = arith.constant 1920 : index
      %swap3A_700 = tpu.vector_load %arg5[%swap3A_698, %swap3A_699] {strides = array<i32>} : memref<16x2048xf32, #tpu.memory_space<vmem>>, vector<16xf32>,
      tpu.vector_store %arg5[%swap3A_698, %swap3A_699], %broadcast_in_dim3A_5 {strides = array<i32>} : memref<16x2048xf32, #tpu.memory_space<vmem>>, vector<16xf32>,
      %swap3A_701 = arith.index_cast %scan3A_338 : i32 to index
      %swap3A_702 = arith.constant 1936 : index
      %swap3A_703 = tpu.vector_load %arg5[%swap3A_701, %swap3A_702] {strides = array<i32>} : memref<16x2048xf32, #tpu.memory_space<vmem>>, vector<16xf32>,
      tpu.vector_store %arg5[%swap3A_701, %swap3A_702], %broadcast_in_dim3A_5 {strides = array<i32>} : memref<16x2048xf32, #tpu.memory_space<vmem>>, vector<16xf32>,
      %swap3A_704 = arith.index_cast %scan3A_338 : i32 to index
      %swap3A_705 = arith.constant 1952 : index
      %swap3A_706 = tpu.vector_load %arg5[%swap3A_704, %swap3A_705] {strides = array<i32>} : memref<16x2048xf32, #tpu.memory_space<vmem>>, vector<16xf32>,
      tpu.vector_store %arg5[%swap3A_704, %swap3A_705], %broadcast_in_dim3A_5 {strides = array<i32>} : memref<16x2048xf32, #tpu.memory_space<vmem>>, vector<16xf32>,
      %swap3A_707 = arith.index_cast %scan3A_338 : i32 to index
      %swap3A_708 = arith.constant 1968 : index
      %swap3A_709 = tpu.vector_load %arg5[%swap3A_707, %swap3A_708] {strides = array<i32>} : memref<16x2048xf32, #tpu.memory_space<vmem>>, vector<16xf32>,
      tpu.vector_store %arg5[%swap3A_707, %swap3A_708], %broadcast_in_dim3A_5 {strides = array<i32>} : memref<16x2048xf32, #tpu.memory_space<vmem>>, vector<16xf32>,
      %swap3A_710 = arith.index_cast %scan3A_338 : i32 to index
      %swap3A_711 = arith.constant 1984 : index
      %swap3A_712 = tpu.vector_load %arg5[%swap3A_710, %swap3A_711] {strides = array<i32>} : memref<16x2048xf32, #tpu.memory_space<vmem>>, vector<16xf32>,
      tpu.vector_store %arg5[%swap3A_710, %swap3A_711], %broadcast_in_dim3A_5 {strides = array<i32>} : memref<16x2048xf32, #tpu.memory_space<vmem>>, vector<16xf32>,
      %swap3A_713 = arith.index_cast %scan3A_338 : i32 to index
      %swap3A_714 = arith.constant 2000 : index
      %swap3A_715 = tpu.vector_load %arg5[%swap3A_713, %swap3A_714] {strides = array<i32>} : memref<16x2048xf32, #tpu.memory_space<vmem>>, vector<16xf32>,
      tpu.vector_store %arg5[%swap3A_713, %swap3A_714], %broadcast_in_dim3A_5 {strides = array<i32>} : memref<16x2048xf32, #tpu.memory_space<vmem>>, vector<16xf32>,
      %swap3A_716 = arith.index_cast %scan3A_338 : i32 to index
      %swap3A_717 = arith.constant 2016 : index
      %swap3A_718 = tpu.vector_load %arg5[%swap3A_716, %swap3A_717] {strides = array<i32>} : memref<16x2048xf32, #tpu.memory_space<vmem>>, vector<16xf32>,
      tpu.vector_store %arg5[%swap3A_716, %swap3A_717], %broadcast_in_dim3A_5 {strides = array<i32>} : memref<16x2048xf32, #tpu.memory_space<vmem>>, vector<16xf32>,
      %swap3A_719 = arith.index_cast %scan3A_338 : i32 to index
      %swap3A_720 = arith.constant 2032 : index
      %swap3A_721 = tpu.vector_load %arg5[%swap3A_719, %swap3A_720] {strides = array<i32>} : memref<16x2048xf32, #tpu.memory_space<vmem>>, vector<16xf32>,
      tpu.vector_store %arg5[%swap3A_719, %swap3A_720], %broadcast_in_dim3A_5 {strides = array<i32>} : memref<16x2048xf32, #tpu.memory_space<vmem>>, vector<16xf32>,
    }
    %scan3A_34 = arith.constant 16 : i32
    %get3A_35 = arith.index_cast %shift_right_logical3A_3 : i32 to index
    %get3A_36 = arith.constant 16 : index
    %get3A_37 = tpu.vector_load %arg6[%get3A_35, %get3A_36] {strides = array<i32>} : memref<4x256xi32, #tpu.memory_space<vmem>>, vector<16xi32>,
    tpu.vector_store_idx %arg5[%iota3A, %get3A_37], %broadcast_in_dim3A_7 : memref<16x2048xf32, #tpu.memory_space<vmem>>[vector<16xi32>, vector<16xi32>], vector<16xf32>,
    %add3A_38 = arith.constant 16 : i32
    %add3A_39 = arith.addi %multiple_of3A, %add3A_38 : i32
    %dma_start3A_40 = arith.constant 0 : i32
    %dma_start3A_41 = tpu.memref_slice %arg3[%shift_right_logical3A_3, %add3A_39, %dma_start3A_40] : memref<4x2048x2048xf32, #tpu.memory_space<hbm>> -> memref<1x16x2048xf32, #tpu.memory_space<hbm>>
    %dma_start3A_42 = tpu.memref_squeeze %dma_start3A_41 : memref<1x16x2048xf32, #tpu.memory_space<hbm>> -> memref<16x2048xf32, #tpu.memory_space<hbm>>
    %dma_start3A_43 = arith.constant 0 : i32
    %dma_start3A_44 = tpu.memref_slice %arg3[%shift_right_logical3A_3, %add3A_39, %dma_start3A_43] : memref<4x2048x2048xf32, #tpu.memory_space<hbm>> -> memref<1x16x2048xf32, #tpu.memory_space<hbm>>
    %dma_start3A_45 = tpu.memref_squeeze %dma_start3A_44 : memref<1x16x2048xf32, #tpu.memory_space<hbm>> -> memref<16x2048xf32, #tpu.memory_space<hbm>>
    tpu.enqueue_dma source(%arg5 : memref<16x2048xf32, #tpu.memory_space<vmem>>) target(%dma_start3A_45 : memref<16x2048xf32, #tpu.memory_space<hbm>>) target_semaphore(%arg8 : memref<!tpu.dma_semaphore, #tpu.memory_space<semaphore_mem>>)
    %dma_wait3A_46 = arith.constant 0 : i32
    %dma_wait3A_47 = tpu.memref_slice %arg3[%shift_right_logical3A_3, %add3A_22, %dma_wait3A_46] : memref<4x2048x2048xf32, #tpu.memory_space<hbm>> -> memref<1x16x2048xf32, #tpu.memory_space<hbm>>
    %dma_wait3A_48 = tpu.memref_squeeze %dma_wait3A_47 : memref<1x16x2048xf32, #tpu.memory_space<hbm>> -> memref<16x2048xf32, #tpu.memory_space<hbm>>
    %dma_wait3A_49 = arith.constant 0 : i32
    %dma_wait3A_50 = tpu.memref_slice %arg3[%shift_right_logical3A_3, %add3A_22, %dma_wait3A_49] : memref<4x2048x2048xf32, #tpu.memory_space<hbm>> -> memref<1x16x2048xf32, #tpu.memory_space<hbm>>
    %dma_wait3A_51 = tpu.memref_squeeze %dma_wait3A_50 : memref<1x16x2048xf32, #tpu.memory_space<hbm>> -> memref<16x2048xf32, #tpu.memory_space<hbm>>
    tpu.wait_dma2 semaphore(%arg7 : memref<!tpu.dma_semaphore, #tpu.memory_space<semaphore_mem>>) src(%arg4 : memref<16x2048xf32, #tpu.memory_space<vmem>>) dst(%dma_wait3A_51 : memref<16x2048xf32, #tpu.memory_space<hbm>>)
    %get3A_52 = arith.index_cast %shift_right_logical3A_3 : i32 to index
    %get3A_53 = arith.constant 0 : index
    %get3A_54 = tpu.vector_load %arg6[%get3A_52, %get3A_53] {strides = array<i32>} : memref<4x256xi32, #tpu.memory_space<vmem>>, vector<16xi32>,
    tpu.vector_store_idx %arg4[%iota3A, %get3A_54], %broadcast_in_dim3A_5 : memref<16x2048xf32, #tpu.memory_space<vmem>>[vector<16xi32>, vector<16xi32>], vector<16xf32>,
    %get3A_55 = arith.index_cast %shift_right_logical3A_3 : i32 to index
    %get3A_56 = arith.constant 32 : index
    %get3A_57 = tpu.vector_load %arg6[%get3A_55, %get3A_56] {strides = array<i32>} : memref<4x256xi32, #tpu.memory_space<vmem>>, vector<16xi32>,
    tpu.vector_store_idx %arg4[%iota3A, %get3A_57], %broadcast_in_dim3A_7 : memref<16x2048xf32, #tpu.memory_space<vmem>>[vector<16xi32>, vector<16xi32>], vector<16xf32>,
    %add3A_58 = arith.constant 32 : i32
    %add3A_59 = arith.addi %multiple_of3A, %add3A_58 : i32
    %dma_start3A_60 = arith.constant 0 : i32
    %dma_start3A_61 = tpu.memref_slice %arg3[%shift_right_logical3A_3, %add3A_59, %dma_start3A_60] : memref<4x2048x2048xf32, #tpu.memory_space<hbm>> -> memref<1x16x2048xf32, #tpu.memory_space<hbm>>
    %dma_start3A_62 = tpu.memref_squeeze %dma_start3A_61 : memref<1x16x2048xf32, #tpu.memory_space<hbm>> -> memref<16x2048xf32, #tpu.memory_space<hbm>>
    %dma_start3A_63 = arith.constant 0 : i32
    %dma_start3A_64 = tpu.memref_slice %arg3[%shift_right_logical3A_3, %add3A_59, %dma_start3A_63] : memref<4x2048x2048xf32, #tpu.memory_space<hbm>> -> memref<1x16x2048xf32, #tpu.memory_space<hbm>>
    %dma_start3A_65 = tpu.memref_squeeze %dma_start3A_64 : memref<1x16x2048xf32, #tpu.memory_space<hbm>> -> memref<16x2048xf32, #tpu.memory_space<hbm>>
    tpu.enqueue_dma source(%arg4 : memref<16x2048xf32, #tpu.memory_space<vmem>>) target(%dma_start3A_65 : memref<16x2048xf32, #tpu.memory_space<hbm>>) target_semaphore(%arg7 : memref<!tpu.dma_semaphore, #tpu.memory_space<semaphore_mem>>)
    %dma_wait3A_66 = arith.constant 0 : i32
    %dma_wait3A_67 = tpu.memref_slice %arg3[%shift_right_logical3A_3, %add3A_39, %dma_wait3A_66] : memref<4x2048x2048xf32, #tpu.memory_space<hbm>> -> memref<1x16x2048xf32, #tpu.memory_space<hbm>>
    %dma_wait3A_68 = tpu.memref_squeeze %dma_wait3A_67 : memref<1x16x2048xf32, #tpu.memory_space<hbm>> -> memref<16x2048xf32, #tpu.memory_space<hbm>>
    %dma_wait3A_69 = arith.constant 0 : i32
    %dma_wait3A_70 = tpu.memref_slice %arg3[%shift_right_logical3A_3, %add3A_39, %dma_wait3A_69] : memref<4x2048x2048xf32, #tpu.memory_space<hbm>> -> memref<1x16x2048xf32, #tpu.memory_space<hbm>>
    %dma_wait3A_71 = tpu.memref_squeeze %dma_wait3A_70 : memref<1x16x2048xf32, #tpu.memory_space<hbm>> -> memref<16x2048xf32, #tpu.memory_space<hbm>>
    tpu.wait_dma2 semaphore(%arg8 : memref<!tpu.dma_semaphore, #tpu.memory_space<semaphore_mem>>) src(%arg5 : memref<16x2048xf32, #tpu.memory_space<vmem>>) dst(%dma_wait3A_71 : memref<16x2048xf32, #tpu.memory_space<hbm>>)
    %get3A_72 = arith.index_cast %shift_right_logical3A_3 : i32 to index
    %get3A_73 = arith.constant 16 : index
    %get3A_74 = tpu.vector_load %arg6[%get3A_72, %get3A_73] {strides = array<i32>} : memref<4x256xi32, #tpu.memory_space<vmem>>, vector<16xi32>,
    tpu.vector_store_idx %arg5[%iota3A, %get3A_74], %broadcast_in_dim3A_5 : memref<16x2048xf32, #tpu.memory_space<vmem>>[vector<16xi32>, vector<16xi32>], vector<16xf32>,
    %get3A_75 = arith.index_cast %shift_right_logical3A_3 : i32 to index
    %get3A_76 = arith.constant 48 : index
    %get3A_77 = tpu.vector_load %arg6[%get3A_75, %get3A_76] {strides = array<i32>} : memref<4x256xi32, #tpu.memory_space<vmem>>, vector<16xi32>,
    tpu.vector_store_idx %arg5[%iota3A, %get3A_77], %broadcast_in_dim3A_7 : memref<16x2048xf32, #tpu.memory_space<vmem>>[vector<16xi32>, vector<16xi32>], vector<16xf32>,
    %add3A_78 = arith.constant 48 : i32
    %add3A_79 = arith.addi %multiple_of3A, %add3A_78 : i32
    %dma_start3A_80 = arith.constant 0 : i32
    %dma_start3A_81 = tpu.memref_slice %arg3[%shift_right_logical3A_3, %add3A_79, %dma_start3A_80] : memref<4x2048x2048xf32, #tpu.memory_space<hbm>> -> memref<1x16x2048xf32, #tpu.memory_space<hbm>>
    %dma_start3A_82 = tpu.memref_squeeze %dma_start3A_81 : memref<1x16x2048xf32, #tpu.memory_space<hbm>> -> memref<16x2048xf32, #tpu.memory_space<hbm>>
    %dma_start3A_83 = arith.constant 0 : i32
    %dma_start3A_84 = tpu.memref_slice %arg3[%shift_right_logical3A_3, %add3A_79, %dma_start3A_83] : memref<4x2048x2048xf32, #tpu.memory_space<hbm>> -> memref<1x16x2048xf32, #tpu.memory_space<hbm>>
    %dma_start3A_85 = tpu.memref_squeeze %dma_start3A_84 : memref<1x16x2048xf32, #tpu.memory_space<hbm>> -> memref<16x2048xf32, #tpu.memory_space<hbm>>
    tpu.enqueue_dma source(%arg5 : memref<16x2048xf32, #tpu.memory_space<vmem>>) target(%dma_start3A_85 : memref<16x2048xf32, #tpu.memory_space<hbm>>) target_semaphore(%arg8 : memref<!tpu.dma_semaphore, #tpu.memory_space<semaphore_mem>>)
    %dma_wait3A_86 = arith.constant 0 : i32
    %dma_wait3A_87 = tpu.memref_slice %arg3[%shift_right_logical3A_3, %add3A_59, %dma_wait3A_86] : memref<4x2048x2048xf32, #tpu.memory_space<hbm>> -> memref<1x16x2048xf32, #tpu.memory_space<hbm>>
    %dma_wait3A_88 = tpu.memref_squeeze %dma_wait3A_87 : memref<1x16x2048xf32, #tpu.memory_space<hbm>> -> memref<16x2048xf32, #tpu.memory_space<hbm>>
    %dma_wait3A_89 = arith.constant 0 : i32
    %dma_wait3A_90 = tpu.memref_slice %arg3[%shift_right_logical3A_3, %add3A_59, %dma_wait3A_89] : memref<4x2048x2048xf32, #tpu.memory_space<hbm>> -> memref<1x16x2048xf32, #tpu.memory_space<hbm>>
    %dma_wait3A_91 = tpu.memref_squeeze %dma_wait3A_90 : memref<1x16x2048xf32, #tpu.memory_space<hbm>> -> memref<16x2048xf32, #tpu.memory_space<hbm>>
    tpu.wait_dma2 semaphore(%arg7 : memref<!tpu.dma_semaphore, #tpu.memory_space<semaphore_mem>>) src(%arg4 : memref<16x2048xf32, #tpu.memory_space<vmem>>) dst(%dma_wait3A_91 : memref<16x2048xf32, #tpu.memory_space<hbm>>)
    %get3A_92 = arith.index_cast %shift_right_logical3A_3 : i32 to index
    %get3A_93 = arith.constant 32 : index
    %get3A_94 = tpu.vector_load %arg6[%get3A_92, %get3A_93] {strides = array<i32>} : memref<4x256xi32, #tpu.memory_space<vmem>>, vector<16xi32>,
    tpu.vector_store_idx %arg4[%iota3A, %get3A_94], %broadcast_in_dim3A_5 : memref<16x2048xf32, #tpu.memory_space<vmem>>[vector<16xi32>, vector<16xi32>], vector<16xf32>,
    %get3A_95 = arith.index_cast %shift_right_logical3A_3 : i32 to index
    %get3A_96 = arith.constant 64 : index
    %get3A_97 = tpu.vector_load %arg6[%get3A_95, %get3A_96] {strides = array<i32>} : memref<4x256xi32, #tpu.memory_space<vmem>>, vector<16xi32>,
    tpu.vector_store_idx %arg4[%iota3A, %get3A_97], %broadcast_in_dim3A_7 : memref<16x2048xf32, #tpu.memory_space<vmem>>[vector<16xi32>, vector<16xi32>], vector<16xf32>,
    %add3A_98 = arith.constant 64 : i32
    %add3A_99 = arith.addi %multiple_of3A, %add3A_98 : i32
    %dma_start3A_100 = arith.constant 0 : i32
    %dma_start3A_101 = tpu.memref_slice %arg3[%shift_right_logical3A_3, %add3A_99, %dma_start3A_100] : memref<4x2048x2048xf32, #tpu.memory_space<hbm>> -> memref<1x16x2048xf32, #tpu.memory_space<hbm>>
    %dma_start3A_102 = tpu.memref_squeeze %dma_start3A_101 : memref<1x16x2048xf32, #tpu.memory_space<hbm>> -> memref<16x2048xf32, #tpu.memory_space<hbm>>
    %dma_start3A_103 = arith.constant 0 : i32
    %dma_start3A_104 = tpu.memref_slice %arg3[%shift_right_logical3A_3, %add3A_99, %dma_start3A_103] : memref<4x2048x2048xf32, #tpu.memory_space<hbm>> -> memref<1x16x2048xf32, #tpu.memory_space<hbm>>
    %dma_start3A_105 = tpu.memref_squeeze %dma_start3A_104 : memref<1x16x2048xf32, #tpu.memory_space<hbm>> -> memref<16x2048xf32, #tpu.memory_space<hbm>>
    tpu.enqueue_dma source(%arg4 : memref<16x2048xf32, #tpu.memory_space<vmem>>) target(%dma_start3A_105 : memref<16x2048xf32, #tpu.memory_space<hbm>>) target_semaphore(%arg7 : memref<!tpu.dma_semaphore, #tpu.memory_space<semaphore_mem>>)
    %dma_wait3A_106 = arith.constant 0 : i32
    %dma_wait3A_107 = tpu.memref_slice %arg3[%shift_right_logical3A_3, %add3A_79, %dma_wait3A_106] : memref<4x2048x2048xf32, #tpu.memory_space<hbm>> -> memref<1x16x2048xf32, #tpu.memory_space<hbm>>
    %dma_wait3A_108 = tpu.memref_squeeze %dma_wait3A_107 : memref<1x16x2048xf32, #tpu.memory_space<hbm>> -> memref<16x2048xf32, #tpu.memory_space<hbm>>
    %dma_wait3A_109 = arith.constant 0 : i32
    %dma_wait3A_110 = tpu.memref_slice %arg3[%shift_right_logical3A_3, %add3A_79, %dma_wait3A_109] : memref<4x2048x2048xf32, #tpu.memory_space<hbm>> -> memref<1x16x2048xf32, #tpu.memory_space<hbm>>
    %dma_wait3A_111 = tpu.memref_squeeze %dma_wait3A_110 : memref<1x16x2048xf32, #tpu.memory_space<hbm>> -> memref<16x2048xf32, #tpu.memory_space<hbm>>
    tpu.wait_dma2 semaphore(%arg8 : memref<!tpu.dma_semaphore, #tpu.memory_space<semaphore_mem>>) src(%arg5 : memref<16x2048xf32, #tpu.memory_space<vmem>>) dst(%dma_wait3A_111 : memref<16x2048xf32, #tpu.memory_space<hbm>>)
    %get3A_112 = arith.index_cast %shift_right_logical3A_3 : i32 to index
    %get3A_113 = arith.constant 48 : index
    %get3A_114 = tpu.vector_load %arg6[%get3A_112, %get3A_113] {strides = array<i32>} : memref<4x256xi32, #tpu.memory_space<vmem>>, vector<16xi32>,
    tpu.vector_store_idx %arg5[%iota3A, %get3A_114], %broadcast_in_dim3A_5 : memref<16x2048xf32, #tpu.memory_space<vmem>>[vector<16xi32>, vector<16xi32>], vector<16xf32>,
    %get3A_115 = arith.index_cast %shift_right_logical3A_3 : i32 to index
    %get3A_116 = arith.constant 80 : index
    %get3A_117 = tpu.vector_load %arg6[%get3A_115, %get3A_116] {strides = array<i32>} : memref<4x256xi32, #tpu.memory_space<vmem>>, vector<16xi32>,
    tpu.vector_store_idx %arg5[%iota3A, %get3A_117], %broadcast_in_dim3A_7 : memref<16x2048xf32, #tpu.memory_space<vmem>>[vector<16xi32>, vector<16xi32>], vector<16xf32>,
    %add3A_118 = arith.constant 80 : i32
    %add3A_119 = arith.addi %multiple_of3A, %add3A_118 : i32
    %dma_start3A_120 = arith.constant 0 : i32
    %dma_start3A_121 = tpu.memref_slice %arg3[%shift_right_logical3A_3, %add3A_119, %dma_start3A_120] : memref<4x2048x2048xf32, #tpu.memory_space<hbm>> -> memref<1x16x2048xf32, #tpu.memory_space<hbm>>
    %dma_start3A_122 = tpu.memref_squeeze %dma_start3A_121 : memref<1x16x2048xf32, #tpu.memory_space<hbm>> -> memref<16x2048xf32, #tpu.memory_space<hbm>>
    %dma_start3A_123 = arith.constant 0 : i32
    %dma_start3A_124 = tpu.memref_slice %arg3[%shift_right_logical3A_3, %add3A_119, %dma_start3A_123] : memref<4x2048x2048xf32, #tpu.memory_space<hbm>> -> memref<1x16x2048xf32, #tpu.memory_space<hbm>>
    %dma_start3A_125 = tpu.memref_squeeze %dma_start3A_124 : memref<1x16x2048xf32, #tpu.memory_space<hbm>> -> memref<16x2048xf32, #tpu.memory_space<hbm>>
    tpu.enqueue_dma source(%arg5 : memref<16x2048xf32, #tpu.memory_space<vmem>>) target(%dma_start3A_125 : memref<16x2048xf32, #tpu.memory_space<hbm>>) target_semaphore(%arg8 : memref<!tpu.dma_semaphore, #tpu.memory_space<semaphore_mem>>)
    %dma_wait3A_126 = arith.constant 0 : i32
    %dma_wait3A_127 = tpu.memref_slice %arg3[%shift_right_logical3A_3, %add3A_99, %dma_wait3A_126] : memref<4x2048x2048xf32, #tpu.memory_space<hbm>> -> memref<1x16x2048xf32, #tpu.memory_space<hbm>>
    %dma_wait3A_128 = tpu.memref_squeeze %dma_wait3A_127 : memref<1x16x2048xf32, #tpu.memory_space<hbm>> -> memref<16x2048xf32, #tpu.memory_space<hbm>>
    %dma_wait3A_129 = arith.constant 0 : i32
    %dma_wait3A_130 = tpu.memref_slice %arg3[%shift_right_logical3A_3, %add3A_99, %dma_wait3A_129] : memref<4x2048x2048xf32, #tpu.memory_space<hbm>> -> memref<1x16x2048xf32, #tpu.memory_space<hbm>>
    %dma_wait3A_131 = tpu.memref_squeeze %dma_wait3A_130 : memref<1x16x2048xf32, #tpu.memory_space<hbm>> -> memref<16x2048xf32, #tpu.memory_space<hbm>>
    tpu.wait_dma2 semaphore(%arg7 : memref<!tpu.dma_semaphore, #tpu.memory_space<semaphore_mem>>) src(%arg4 : memref<16x2048xf32, #tpu.memory_space<vmem>>) dst(%dma_wait3A_131 : memref<16x2048xf32, #tpu.memory_space<hbm>>)
    %get3A_132 = arith.index_cast %shift_right_logical3A_3 : i32 to index
    %get3A_133 = arith.constant 64 : index
    %get3A_134 = tpu.vector_load %arg6[%get3A_132, %get3A_133] {strides = array<i32>} : memref<4x256xi32, #tpu.memory_space<vmem>>, vector<16xi32>,
    tpu.vector_store_idx %arg4[%iota3A, %get3A_134], %broadcast_in_dim3A_5 : memref<16x2048xf32, #tpu.memory_space<vmem>>[vector<16xi32>, vector<16xi32>], vector<16xf32>,
    %get3A_135 = arith.index_cast %shift_right_logical3A_3 : i32 to index
    %get3A_136 = arith.constant 96 : index
    %get3A_137 = tpu.vector_load %arg6[%get3A_135, %get3A_136] {strides = array<i32>} : memref<4x256xi32, #tpu.memory_space<vmem>>, vector<16xi32>,
    tpu.vector_store_idx %arg4[%iota3A, %get3A_137], %broadcast_in_dim3A_7 : memref<16x2048xf32, #tpu.memory_space<vmem>>[vector<16xi32>, vector<16xi32>], vector<16xf32>,
    %add3A_138 = arith.constant 96 : i32
    %add3A_139 = arith.addi %multiple_of3A, %add3A_138 : i32
    %dma_start3A_140 = arith.constant 0 : i32
    %dma_start3A_141 = tpu.memref_slice %arg3[%shift_right_logical3A_3, %add3A_139, %dma_start3A_140] : memref<4x2048x2048xf32, #tpu.memory_space<hbm>> -> memref<1x16x2048xf32, #tpu.memory_space<hbm>>
    %dma_start3A_142 = tpu.memref_squeeze %dma_start3A_141 : memref<1x16x2048xf32, #tpu.memory_space<hbm>> -> memref<16x2048xf32, #tpu.memory_space<hbm>>
    %dma_start3A_143 = arith.constant 0 : i32
    %dma_start3A_144 = tpu.memref_slice %arg3[%shift_right_logical3A_3, %add3A_139, %dma_start3A_143] : memref<4x2048x2048xf32, #tpu.memory_space<hbm>> -> memref<1x16x2048xf32, #tpu.memory_space<hbm>>
    %dma_start3A_145 = tpu.memref_squeeze %dma_start3A_144 : memref<1x16x2048xf32, #tpu.memory_space<hbm>> -> memref<16x2048xf32, #tpu.memory_space<hbm>>
    tpu.enqueue_dma source(%arg4 : memref<16x2048xf32, #tpu.memory_space<vmem>>) target(%dma_start3A_145 : memref<16x2048xf32, #tpu.memory_space<hbm>>) target_semaphore(%arg7 : memref<!tpu.dma_semaphore, #tpu.memory_space<semaphore_mem>>)
    %dma_wait3A_146 = arith.constant 0 : i32
    %dma_wait3A_147 = tpu.memref_slice %arg3[%shift_right_logical3A_3, %add3A_119, %dma_wait3A_146] : memref<4x2048x2048xf32, #tpu.memory_space<hbm>> -> memref<1x16x2048xf32, #tpu.memory_space<hbm>>
    %dma_wait3A_148 = tpu.memref_squeeze %dma_wait3A_147 : memref<1x16x2048xf32, #tpu.memory_space<hbm>> -> memref<16x2048xf32, #tpu.memory_space<hbm>>
    %dma_wait3A_149 = arith.constant 0 : i32
    %dma_wait3A_150 = tpu.memref_slice %arg3[%shift_right_logical3A_3, %add3A_119, %dma_wait3A_149] : memref<4x2048x2048xf32, #tpu.memory_space<hbm>> -> memref<1x16x2048xf32, #tpu.memory_space<hbm>>
    %dma_wait3A_151 = tpu.memref_squeeze %dma_wait3A_150 : memref<1x16x2048xf32, #tpu.memory_space<hbm>> -> memref<16x2048xf32, #tpu.memory_space<hbm>>
    tpu.wait_dma2 semaphore(%arg8 : memref<!tpu.dma_semaphore, #tpu.memory_space<semaphore_mem>>) src(%arg5 : memref<16x2048xf32, #tpu.memory_space<vmem>>) dst(%dma_wait3A_151 : memref<16x2048xf32, #tpu.memory_space<hbm>>)
    %get3A_152 = arith.index_cast %shift_right_logical3A_3 : i32 to index
    %get3A_153 = arith.constant 80 : index
    %get3A_154 = tpu.vector_load %arg6[%get3A_152, %get3A_153] {strides = array<i32>} : memref<4x256xi32, #tpu.memory_space<vmem>>, vector<16xi32>,
    tpu.vector_store_idx %arg5[%iota3A, %get3A_154], %broadcast_in_dim3A_5 : memref<16x2048xf32, #tpu.memory_space<vmem>>[vector<16xi32>, vector<16xi32>], vector<16xf32>,
    %get3A_155 = arith.index_cast %shift_right_logical3A_3 : i32 to index
    %get3A_156 = arith.constant 112 : index
    %get3A_157 = tpu.vector_load %arg6[%get3A_155, %get3A_156] {strides = array<i32>} : memref<4x256xi32, #tpu.memory_space<vmem>>, vector<16xi32>,
    tpu.vector_store_idx %arg5[%iota3A, %get3A_157], %broadcast_in_dim3A_7 : memref<16x2048xf32, #tpu.memory_space<vmem>>[vector<16xi32>, vector<16xi32>], vector<16xf32>,
    %add3A_158 = arith.constant 112 : i32
    %add3A_159 = arith.addi %multiple_of3A, %add3A_158 : i32
    %dma_start3A_160 = arith.constant 0 : i32
    %dma_start3A_161 = tpu.memref_slice %arg3[%shift_right_logical3A_3, %add3A_159, %dma_start3A_160] : memref<4x2048x2048xf32, #tpu.memory_space<hbm>> -> memref<1x16x2048xf32, #tpu.memory_space<hbm>>
    %dma_start3A_162 = tpu.memref_squeeze %dma_start3A_161 : memref<1x16x2048xf32, #tpu.memory_space<hbm>> -> memref<16x2048xf32, #tpu.memory_space<hbm>>
    %dma_start3A_163 = arith.constant 0 : i32
    %dma_start3A_164 = tpu.memref_slice %arg3[%shift_right_logical3A_3, %add3A_159, %dma_start3A_163] : memref<4x2048x2048xf32, #tpu.memory_space<hbm>> -> memref<1x16x2048xf32, #tpu.memory_space<hbm>>
    %dma_start3A_165 = tpu.memref_squeeze %dma_start3A_164 : memref<1x16x2048xf32, #tpu.memory_space<hbm>> -> memref<16x2048xf32, #tpu.memory_space<hbm>>
    tpu.enqueue_dma source(%arg5 : memref<16x2048xf32, #tpu.memory_space<vmem>>) target(%dma_start3A_165 : memref<16x2048xf32, #tpu.memory_space<hbm>>) target_semaphore(%arg8 : memref<!tpu.dma_semaphore, #tpu.memory_space<semaphore_mem>>)
    %dma_wait3A_166 = arith.constant 0 : i32
    %dma_wait3A_167 = tpu.memref_slice %arg3[%shift_right_logical3A_3, %add3A_139, %dma_wait3A_166] : memref<4x2048x2048xf32, #tpu.memory_space<hbm>> -> memref<1x16x2048xf32, #tpu.memory_space<hbm>>
    %dma_wait3A_168 = tpu.memref_squeeze %dma_wait3A_167 : memref<1x16x2048xf32, #tpu.memory_space<hbm>> -> memref<16x2048xf32, #tpu.memory_space<hbm>>
    %dma_wait3A_169 = arith.constant 0 : i32
    %dma_wait3A_170 = tpu.memref_slice %arg3[%shift_right_logical3A_3, %add3A_139, %dma_wait3A_169] : memref<4x2048x2048xf32, #tpu.memory_space<hbm>> -> memref<1x16x2048xf32, #tpu.memory_space<hbm>>
    %dma_wait3A_171 = tpu.memref_squeeze %dma_wait3A_170 : memref<1x16x2048xf32, #tpu.memory_space<hbm>> -> memref<16x2048xf32, #tpu.memory_space<hbm>>
    tpu.wait_dma2 semaphore(%arg7 : memref<!tpu.dma_semaphore, #tpu.memory_space<semaphore_mem>>) src(%arg4 : memref<16x2048xf32, #tpu.memory_space<vmem>>) dst(%dma_wait3A_171 : memref<16x2048xf32, #tpu.memory_space<hbm>>)
    %get3A_172 = arith.index_cast %shift_right_logical3A_3 : i32 to index
    %get3A_173 = arith.constant 96 : index
    %get3A_174 = tpu.vector_load %arg6[%get3A_172, %get3A_173] {strides = array<i32>} : memref<4x256xi32, #tpu.memory_space<vmem>>, vector<16xi32>,
    tpu.vector_store_idx %arg4[%iota3A, %get3A_174], %broadcast_in_dim3A_5 : memref<16x2048xf32, #tpu.memory_space<vmem>>[vector<16xi32>, vector<16xi32>], vector<16xf32>,
    %get3A_175 = arith.index_cast %shift_right_logical3A_3 : i32 to index
    %get3A_176 = arith.constant 128 : index
    %get3A_177 = tpu.vector_load %arg6[%get3A_175, %get3A_176] {strides = array<i32>} : memref<4x256xi32, #tpu.memory_space<vmem>>, vector<16xi32>,
    tpu.vector_store_idx %arg4[%iota3A, %get3A_177], %broadcast_in_dim3A_7 : memref<16x2048xf32, #tpu.memory_space<vmem>>[vector<16xi32>, vector<16xi32>], vector<16xf32>,
    %add3A_178 = arith.constant 128 : i32
    %add3A_179 = arith.addi %multiple_of3A, %add3A_178 : i32
    %dma_start3A_180 = arith.constant 0 : i32
    %dma_start3A_181 = tpu.memref_slice %arg3[%shift_right_logical3A_3, %add3A_179, %dma_start3A_180] : memref<4x2048x2048xf32, #tpu.memory_space<hbm>> -> memref<1x16x2048xf32, #tpu.memory_space<hbm>>
    %dma_start3A_182 = tpu.memref_squeeze %dma_start3A_181 : memref<1x16x2048xf32, #tpu.memory_space<hbm>> -> memref<16x2048xf32, #tpu.memory_space<hbm>>
    %dma_start3A_183 = arith.constant 0 : i32
    %dma_start3A_184 = tpu.memref_slice %arg3[%shift_right_logical3A_3, %add3A_179, %dma_start3A_183] : memref<4x2048x2048xf32, #tpu.memory_space<hbm>> -> memref<1x16x2048xf32, #tpu.memory_space<hbm>>
    %dma_start3A_185 = tpu.memref_squeeze %dma_start3A_184 : memref<1x16x2048xf32, #tpu.memory_space<hbm>> -> memref<16x2048xf32, #tpu.memory_space<hbm>>
    tpu.enqueue_dma source(%arg4 : memref<16x2048xf32, #tpu.memory_space<vmem>>) target(%dma_start3A_185 : memref<16x2048xf32, #tpu.memory_space<hbm>>) target_semaphore(%arg7 : memref<!tpu.dma_semaphore, #tpu.memory_space<semaphore_mem>>)
    %dma_wait3A_186 = arith.constant 0 : i32
    %dma_wait3A_187 = tpu.memref_slice %arg3[%shift_right_logical3A_3, %add3A_159, %dma_wait3A_186] : memref<4x2048x2048xf32, #tpu.memory_space<hbm>> -> memref<1x16x2048xf32, #tpu.memory_space<hbm>>
    %dma_wait3A_188 = tpu.memref_squeeze %dma_wait3A_187 : memref<1x16x2048xf32, #tpu.memory_space<hbm>> -> memref<16x2048xf32, #tpu.memory_space<hbm>>
    %dma_wait3A_189 = arith.constant 0 : i32
    %dma_wait3A_190 = tpu.memref_slice %arg3[%shift_right_logical3A_3, %add3A_159, %dma_wait3A_189] : memref<4x2048x2048xf32, #tpu.memory_space<hbm>> -> memref<1x16x2048xf32, #tpu.memory_space<hbm>>
    %dma_wait3A_191 = tpu.memref_squeeze %dma_wait3A_190 : memref<1x16x2048xf32, #tpu.memory_space<hbm>> -> memref<16x2048xf32, #tpu.memory_space<hbm>>
    tpu.wait_dma2 semaphore(%arg8 : memref<!tpu.dma_semaphore, #tpu.memory_space<semaphore_mem>>) src(%arg5 : memref<16x2048xf32, #tpu.memory_space<vmem>>) dst(%dma_wait3A_191 : memref<16x2048xf32, #tpu.memory_space<hbm>>)
    %get3A_192 = arith.index_cast %shift_right_logical3A_3 : i32 to index
    %get3A_193 = arith.constant 112 : index
    %get3A_194 = tpu.vector_load %arg6[%get3A_192, %get3A_193] {strides = array<i32>} : memref<4x256xi32, #tpu.memory_space<vmem>>, vector<16xi32>,
    tpu.vector_store_idx %arg5[%iota3A, %get3A_194], %broadcast_in_dim3A_5 : memref<16x2048xf32, #tpu.memory_space<vmem>>[vector<16xi32>, vector<16xi32>], vector<16xf32>,
    %get3A_195 = arith.index_cast %shift_right_logical3A_3 : i32 to index
    %get3A_196 = arith.constant 144 : index
    %get3A_197 = tpu.vector_load %arg6[%get3A_195, %get3A_196] {strides = array<i32>} : memref<4x256xi32, #tpu.memory_space<vmem>>, vector<16xi32>,
    tpu.vector_store_idx %arg5[%iota3A, %get3A_197], %broadcast_in_dim3A_7 : memref<16x2048xf32, #tpu.memory_space<vmem>>[vector<16xi32>, vector<16xi32>], vector<16xf32>,
    %add3A_198 = arith.constant 144 : i32
    %add3A_199 = arith.addi %multiple_of3A, %add3A_198 : i32
    %dma_start3A_200 = arith.constant 0 : i32
    %dma_start3A_201 = tpu.memref_slice %arg3[%shift_right_logical3A_3, %add3A_199, %dma_start3A_200] : memref<4x2048x2048xf32, #tpu.memory_space<hbm>> -> memref<1x16x2048xf32, #tpu.memory_space<hbm>>
    %dma_start3A_202 = tpu.memref_squeeze %dma_start3A_201 : memref<1x16x2048xf32, #tpu.memory_space<hbm>> -> memref<16x2048xf32, #tpu.memory_space<hbm>>
    %dma_start3A_203 = arith.constant 0 : i32
    %dma_start3A_204 = tpu.memref_slice %arg3[%shift_right_logical3A_3, %add3A_199, %dma_start3A_203] : memref<4x2048x2048xf32, #tpu.memory_space<hbm>> -> memref<1x16x2048xf32, #tpu.memory_space<hbm>>
    %dma_start3A_205 = tpu.memref_squeeze %dma_start3A_204 : memref<1x16x2048xf32, #tpu.memory_space<hbm>> -> memref<16x2048xf32, #tpu.memory_space<hbm>>
    tpu.enqueue_dma source(%arg5 : memref<16x2048xf32, #tpu.memory_space<vmem>>) target(%dma_start3A_205 : memref<16x2048xf32, #tpu.memory_space<hbm>>) target_semaphore(%arg8 : memref<!tpu.dma_semaphore, #tpu.memory_space<semaphore_mem>>)
    %dma_wait3A_206 = arith.constant 0 : i32
    %dma_wait3A_207 = tpu.memref_slice %arg3[%shift_right_logical3A_3, %add3A_179, %dma_wait3A_206] : memref<4x2048x2048xf32, #tpu.memory_space<hbm>> -> memref<1x16x2048xf32, #tpu.memory_space<hbm>>
    %dma_wait3A_208 = tpu.memref_squeeze %dma_wait3A_207 : memref<1x16x2048xf32, #tpu.memory_space<hbm>> -> memref<16x2048xf32, #tpu.memory_space<hbm>>
    %dma_wait3A_209 = arith.constant 0 : i32
    %dma_wait3A_210 = tpu.memref_slice %arg3[%shift_right_logical3A_3, %add3A_179, %dma_wait3A_209] : memref<4x2048x2048xf32, #tpu.memory_space<hbm>> -> memref<1x16x2048xf32, #tpu.memory_space<hbm>>
    %dma_wait3A_211 = tpu.memref_squeeze %dma_wait3A_210 : memref<1x16x2048xf32, #tpu.memory_space<hbm>> -> memref<16x2048xf32, #tpu.memory_space<hbm>>
    tpu.wait_dma2 semaphore(%arg7 : memref<!tpu.dma_semaphore, #tpu.memory_space<semaphore_mem>>) src(%arg4 : memref<16x2048xf32, #tpu.memory_space<vmem>>) dst(%dma_wait3A_211 : memref<16x2048xf32, #tpu.memory_space<hbm>>)
    %get3A_212 = arith.index_cast %shift_right_logical3A_3 : i32 to index
    %get3A_213 = arith.constant 128 : index
    %get3A_214 = tpu.vector_load %arg6[%get3A_212, %get3A_213] {strides = array<i32>} : memref<4x256xi32, #tpu.memory_space<vmem>>, vector<16xi32>,
    tpu.vector_store_idx %arg4[%iota3A, %get3A_214], %broadcast_in_dim3A_5 : memref<16x2048xf32, #tpu.memory_space<vmem>>[vector<16xi32>, vector<16xi32>], vector<16xf32>,
    %get3A_215 = arith.index_cast %shift_right_logical3A_3 : i32 to index
    %get3A_216 = arith.constant 160 : index
    %get3A_217 = tpu.vector_load %arg6[%get3A_215, %get3A_216] {strides = array<i32>} : memref<4x256xi32, #tpu.memory_space<vmem>>, vector<16xi32>,
    tpu.vector_store_idx %arg4[%iota3A, %get3A_217], %broadcast_in_dim3A_7 : memref<16x2048xf32, #tpu.memory_space<vmem>>[vector<16xi32>, vector<16xi32>], vector<16xf32>,
    %add3A_218 = arith.constant 160 : i32
    %add3A_219 = arith.addi %multiple_of3A, %add3A_218 : i32
    %dma_start3A_220 = arith.constant 0 : i32
    %dma_start3A_221 = tpu.memref_slice %arg3[%shift_right_logical3A_3, %add3A_219, %dma_start3A_220] : memref<4x2048x2048xf32, #tpu.memory_space<hbm>> -> memref<1x16x2048xf32, #tpu.memory_space<hbm>>
    %dma_start3A_222 = tpu.memref_squeeze %dma_start3A_221 : memref<1x16x2048xf32, #tpu.memory_space<hbm>> -> memref<16x2048xf32, #tpu.memory_space<hbm>>
    %dma_start3A_223 = arith.constant 0 : i32
    %dma_start3A_224 = tpu.memref_slice %arg3[%shift_right_logical3A_3, %add3A_219, %dma_start3A_223] : memref<4x2048x2048xf32, #tpu.memory_space<hbm>> -> memref<1x16x2048xf32, #tpu.memory_space<hbm>>
    %dma_start3A_225 = tpu.memref_squeeze %dma_start3A_224 : memref<1x16x2048xf32, #tpu.memory_space<hbm>> -> memref<16x2048xf32, #tpu.memory_space<hbm>>
    tpu.enqueue_dma source(%arg4 : memref<16x2048xf32, #tpu.memory_space<vmem>>) target(%dma_start3A_225 : memref<16x2048xf32, #tpu.memory_space<hbm>>) target_semaphore(%arg7 : memref<!tpu.dma_semaphore, #tpu.memory_space<semaphore_mem>>)
    %dma_wait3A_226 = arith.constant 0 : i32
    %dma_wait3A_227 = tpu.memref_slice %arg3[%shift_right_logical3A_3, %add3A_199, %dma_wait3A_226] : memref<4x2048x2048xf32, #tpu.memory_space<hbm>> -> memref<1x16x2048xf32, #tpu.memory_space<hbm>>
    %dma_wait3A_228 = tpu.memref_squeeze %dma_wait3A_227 : memref<1x16x2048xf32, #tpu.memory_space<hbm>> -> memref<16x2048xf32, #tpu.memory_space<hbm>>
    %dma_wait3A_229 = arith.constant 0 : i32
    %dma_wait3A_230 = tpu.memref_slice %arg3[%shift_right_logical3A_3, %add3A_199, %dma_wait3A_229] : memref<4x2048x2048xf32, #tpu.memory_space<hbm>> -> memref<1x16x2048xf32, #tpu.memory_space<hbm>>
    %dma_wait3A_231 = tpu.memref_squeeze %dma_wait3A_230 : memref<1x16x2048xf32, #tpu.memory_space<hbm>> -> memref<16x2048xf32, #tpu.memory_space<hbm>>
    tpu.wait_dma2 semaphore(%arg8 : memref<!tpu.dma_semaphore, #tpu.memory_space<semaphore_mem>>) src(%arg5 : memref<16x2048xf32, #tpu.memory_space<vmem>>) dst(%dma_wait3A_231 : memref<16x2048xf32, #tpu.memory_space<hbm>>)
    %get3A_232 = arith.index_cast %shift_right_logical3A_3 : i32 to index
    %get3A_233 = arith.constant 144 : index
    %get3A_234 = tpu.vector_load %arg6[%get3A_232, %get3A_233] {strides = array<i32>} : memref<4x256xi32, #tpu.memory_space<vmem>>, vector<16xi32>,
    tpu.vector_store_idx %arg5[%iota3A, %get3A_234], %broadcast_in_dim3A_5 : memref<16x2048xf32, #tpu.memory_space<vmem>>[vector<16xi32>, vector<16xi32>], vector<16xf32>,
    %get3A_235 = arith.index_cast %shift_right_logical3A_3 : i32 to index
    %get3A_236 = arith.constant 176 : index
    %get3A_237 = tpu.vector_load %arg6[%get3A_235, %get3A_236] {strides = array<i32>} : memref<4x256xi32, #tpu.memory_space<vmem>>, vector<16xi32>,
    tpu.vector_store_idx %arg5[%iota3A, %get3A_237], %broadcast_in_dim3A_7 : memref<16x2048xf32, #tpu.memory_space<vmem>>[vector<16xi32>, vector<16xi32>], vector<16xf32>,
    %add3A_238 = arith.constant 176 : i32
    %add3A_239 = arith.addi %multiple_of3A, %add3A_238 : i32
    %dma_start3A_240 = arith.constant 0 : i32
    %dma_start3A_241 = tpu.memref_slice %arg3[%shift_right_logical3A_3, %add3A_239, %dma_start3A_240] : memref<4x2048x2048xf32, #tpu.memory_space<hbm>> -> memref<1x16x2048xf32, #tpu.memory_space<hbm>>
    %dma_start3A_242 = tpu.memref_squeeze %dma_start3A_241 : memref<1x16x2048xf32, #tpu.memory_space<hbm>> -> memref<16x2048xf32, #tpu.memory_space<hbm>>
    %dma_start3A_243 = arith.constant 0 : i32
    %dma_start3A_244 = tpu.memref_slice %arg3[%shift_right_logical3A_3, %add3A_239, %dma_start3A_243] : memref<4x2048x2048xf32, #tpu.memory_space<hbm>> -> memref<1x16x2048xf32, #tpu.memory_space<hbm>>
    %dma_start3A_245 = tpu.memref_squeeze %dma_start3A_244 : memref<1x16x2048xf32, #tpu.memory_space<hbm>> -> memref<16x2048xf32, #tpu.memory_space<hbm>>
    tpu.enqueue_dma source(%arg5 : memref<16x2048xf32, #tpu.memory_space<vmem>>) target(%dma_start3A_245 : memref<16x2048xf32, #tpu.memory_space<hbm>>) target_semaphore(%arg8 : memref<!tpu.dma_semaphore, #tpu.memory_space<semaphore_mem>>)
    %dma_wait3A_246 = arith.constant 0 : i32
    %dma_wait3A_247 = tpu.memref_slice %arg3[%shift_right_logical3A_3, %add3A_219, %dma_wait3A_246] : memref<4x2048x2048xf32, #tpu.memory_space<hbm>> -> memref<1x16x2048xf32, #tpu.memory_space<hbm>>
    %dma_wait3A_248 = tpu.memref_squeeze %dma_wait3A_247 : memref<1x16x2048xf32, #tpu.memory_space<hbm>> -> memref<16x2048xf32, #tpu.memory_space<hbm>>
    %dma_wait3A_249 = arith.constant 0 : i32
    %dma_wait3A_250 = tpu.memref_slice %arg3[%shift_right_logical3A_3, %add3A_219, %dma_wait3A_249] : memref<4x2048x2048xf32, #tpu.memory_space<hbm>> -> memref<1x16x2048xf32, #tpu.memory_space<hbm>>
    %dma_wait3A_251 = tpu.memref_squeeze %dma_wait3A_250 : memref<1x16x2048xf32, #tpu.memory_space<hbm>> -> memref<16x2048xf32, #tpu.memory_space<hbm>>
    tpu.wait_dma2 semaphore(%arg7 : memref<!tpu.dma_semaphore, #tpu.memory_space<semaphore_mem>>) src(%arg4 : memref<16x2048xf32, #tpu.memory_space<vmem>>) dst(%dma_wait3A_251 : memref<16x2048xf32, #tpu.memory_space<hbm>>)
    %get3A_252 = arith.index_cast %shift_right_logical3A_3 : i32 to index
    %get3A_253 = arith.constant 160 : index
    %get3A_254 = tpu.vector_load %arg6[%get3A_252, %get3A_253] {strides = array<i32>} : memref<4x256xi32, #tpu.memory_space<vmem>>, vector<16xi32>,
    tpu.vector_store_idx %arg4[%iota3A, %get3A_254], %broadcast_in_dim3A_5 : memref<16x2048xf32, #tpu.memory_space<vmem>>[vector<16xi32>, vector<16xi32>], vector<16xf32>,
    %get3A_255 = arith.index_cast %shift_right_logical3A_3 : i32 to index
    %get3A_256 = arith.constant 192 : index
    %get3A_257 = tpu.vector_load %arg6[%get3A_255, %get3A_256] {strides = array<i32>} : memref<4x256xi32, #tpu.memory_space<vmem>>, vector<16xi32>,
    tpu.vector_store_idx %arg4[%iota3A, %get3A_257], %broadcast_in_dim3A_7 : memref<16x2048xf32, #tpu.memory_space<vmem>>[vector<16xi32>, vector<16xi32>], vector<16xf32>,
    %add3A_258 = arith.constant 192 : i32
    %add3A_259 = arith.addi %multiple_of3A, %add3A_258 : i32
    %dma_start3A_260 = arith.constant 0 : i32
    %dma_start3A_261 = tpu.memref_slice %arg3[%shift_right_logical3A_3, %add3A_259, %dma_start3A_260] : memref<4x2048x2048xf32, #tpu.memory_space<hbm>> -> memref<1x16x2048xf32, #tpu.memory_space<hbm>>
    %dma_start3A_262 = tpu.memref_squeeze %dma_start3A_261 : memref<1x16x2048xf32, #tpu.memory_space<hbm>> -> memref<16x2048xf32, #tpu.memory_space<hbm>>
    %dma_start3A_263 = arith.constant 0 : i32
    %dma_start3A_264 = tpu.memref_slice %arg3[%shift_right_logical3A_3, %add3A_259, %dma_start3A_263] : memref<4x2048x2048xf32, #tpu.memory_space<hbm>> -> memref<1x16x2048xf32, #tpu.memory_space<hbm>>
    %dma_start3A_265 = tpu.memref_squeeze %dma_start3A_264 : memref<1x16x2048xf32, #tpu.memory_space<hbm>> -> memref<16x2048xf32, #tpu.memory_space<hbm>>
    tpu.enqueue_dma source(%arg4 : memref<16x2048xf32, #tpu.memory_space<vmem>>) target(%dma_start3A_265 : memref<16x2048xf32, #tpu.memory_space<hbm>>) target_semaphore(%arg7 : memref<!tpu.dma_semaphore, #tpu.memory_space<semaphore_mem>>)
    %dma_wait3A_266 = arith.constant 0 : i32
    %dma_wait3A_267 = tpu.memref_slice %arg3[%shift_right_logical3A_3, %add3A_239, %dma_wait3A_266] : memref<4x2048x2048xf32, #tpu.memory_space<hbm>> -> memref<1x16x2048xf32, #tpu.memory_space<hbm>>
    %dma_wait3A_268 = tpu.memref_squeeze %dma_wait3A_267 : memref<1x16x2048xf32, #tpu.memory_space<hbm>> -> memref<16x2048xf32, #tpu.memory_space<hbm>>
    %dma_wait3A_269 = arith.constant 0 : i32
    %dma_wait3A_270 = tpu.memref_slice %arg3[%shift_right_logical3A_3, %add3A_239, %dma_wait3A_269] : memref<4x2048x2048xf32, #tpu.memory_space<hbm>> -> memref<1x16x2048xf32, #tpu.memory_space<hbm>>
    %dma_wait3A_271 = tpu.memref_squeeze %dma_wait3A_270 : memref<1x16x2048xf32, #tpu.memory_space<hbm>> -> memref<16x2048xf32, #tpu.memory_space<hbm>>
    tpu.wait_dma2 semaphore(%arg8 : memref<!tpu.dma_semaphore, #tpu.memory_space<semaphore_mem>>) src(%arg5 : memref<16x2048xf32, #tpu.memory_space<vmem>>) dst(%dma_wait3A_271 : memref<16x2048xf32, #tpu.memory_space<hbm>>)
    %get3A_272 = arith.index_cast %shift_right_logical3A_3 : i32 to index
    %get3A_273 = arith.constant 176 : index
    %get3A_274 = tpu.vector_load %arg6[%get3A_272, %get3A_273] {strides = array<i32>} : memref<4x256xi32, #tpu.memory_space<vmem>>, vector<16xi32>,
    tpu.vector_store_idx %arg5[%iota3A, %get3A_274], %broadcast_in_dim3A_5 : memref<16x2048xf32, #tpu.memory_space<vmem>>[vector<16xi32>, vector<16xi32>], vector<16xf32>,
    %get3A_275 = arith.index_cast %shift_right_logical3A_3 : i32 to index
    %get3A_276 = arith.constant 208 : index
    %get3A_277 = tpu.vector_load %arg6[%get3A_275, %get3A_276] {strides = array<i32>} : memref<4x256xi32, #tpu.memory_space<vmem>>, vector<16xi32>,
    tpu.vector_store_idx %arg5[%iota3A, %get3A_277], %broadcast_in_dim3A_7 : memref<16x2048xf32, #tpu.memory_space<vmem>>[vector<16xi32>, vector<16xi32>], vector<16xf32>,
    %add3A_278 = arith.constant 208 : i32
    %add3A_279 = arith.addi %multiple_of3A, %add3A_278 : i32
    %dma_start3A_280 = arith.constant 0 : i32
    %dma_start3A_281 = tpu.memref_slice %arg3[%shift_right_logical3A_3, %add3A_279, %dma_start3A_280] : memref<4x2048x2048xf32, #tpu.memory_space<hbm>> -> memref<1x16x2048xf32, #tpu.memory_space<hbm>>
    %dma_start3A_282 = tpu.memref_squeeze %dma_start3A_281 : memref<1x16x2048xf32, #tpu.memory_space<hbm>> -> memref<16x2048xf32, #tpu.memory_space<hbm>>
    %dma_start3A_283 = arith.constant 0 : i32
    %dma_start3A_284 = tpu.memref_slice %arg3[%shift_right_logical3A_3, %add3A_279, %dma_start3A_283] : memref<4x2048x2048xf32, #tpu.memory_space<hbm>> -> memref<1x16x2048xf32, #tpu.memory_space<hbm>>
    %dma_start3A_285 = tpu.memref_squeeze %dma_start3A_284 : memref<1x16x2048xf32, #tpu.memory_space<hbm>> -> memref<16x2048xf32, #tpu.memory_space<hbm>>
    tpu.enqueue_dma source(%arg5 : memref<16x2048xf32, #tpu.memory_space<vmem>>) target(%dma_start3A_285 : memref<16x2048xf32, #tpu.memory_space<hbm>>) target_semaphore(%arg8 : memref<!tpu.dma_semaphore, #tpu.memory_space<semaphore_mem>>)
    %dma_wait3A_286 = arith.constant 0 : i32
    %dma_wait3A_287 = tpu.memref_slice %arg3[%shift_right_logical3A_3, %add3A_259, %dma_wait3A_286] : memref<4x2048x2048xf32, #tpu.memory_space<hbm>> -> memref<1x16x2048xf32, #tpu.memory_space<hbm>>
    %dma_wait3A_288 = tpu.memref_squeeze %dma_wait3A_287 : memref<1x16x2048xf32, #tpu.memory_space<hbm>> -> memref<16x2048xf32, #tpu.memory_space<hbm>>
    %dma_wait3A_289 = arith.constant 0 : i32
    %dma_wait3A_290 = tpu.memref_slice %arg3[%shift_right_logical3A_3, %add3A_259, %dma_wait3A_289] : memref<4x2048x2048xf32, #tpu.memory_space<hbm>> -> memref<1x16x2048xf32, #tpu.memory_space<hbm>>
    %dma_wait3A_291 = tpu.memref_squeeze %dma_wait3A_290 : memref<1x16x2048xf32, #tpu.memory_space<hbm>> -> memref<16x2048xf32, #tpu.memory_space<hbm>>
    tpu.wait_dma2 semaphore(%arg7 : memref<!tpu.dma_semaphore, #tpu.memory_space<semaphore_mem>>) src(%arg4 : memref<16x2048xf32, #tpu.memory_space<vmem>>) dst(%dma_wait3A_291 : memref<16x2048xf32, #tpu.memory_space<hbm>>)
    %get3A_292 = arith.index_cast %shift_right_logical3A_3 : i32 to index
    %get3A_293 = arith.constant 192 : index
    %get3A_294 = tpu.vector_load %arg6[%get3A_292, %get3A_293] {strides = array<i32>} : memref<4x256xi32, #tpu.memory_space<vmem>>, vector<16xi32>,
    tpu.vector_store_idx %arg4[%iota3A, %get3A_294], %broadcast_in_dim3A_5 : memref<16x2048xf32, #tpu.memory_space<vmem>>[vector<16xi32>, vector<16xi32>], vector<16xf32>,
    %get3A_295 = arith.index_cast %shift_right_logical3A_3 : i32 to index
    %get3A_296 = arith.constant 224 : index
    %get3A_297 = tpu.vector_load %arg6[%get3A_295, %get3A_296] {strides = array<i32>} : memref<4x256xi32, #tpu.memory_space<vmem>>, vector<16xi32>,
    tpu.vector_store_idx %arg4[%iota3A, %get3A_297], %broadcast_in_dim3A_7 : memref<16x2048xf32, #tpu.memory_space<vmem>>[vector<16xi32>, vector<16xi32>], vector<16xf32>,
    %add3A_298 = arith.constant 224 : i32
    %add3A_299 = arith.addi %multiple_of3A, %add3A_298 : i32
    %dma_start3A_300 = arith.constant 0 : i32
    %dma_start3A_301 = tpu.memref_slice %arg3[%shift_right_logical3A_3, %add3A_299, %dma_start3A_300] : memref<4x2048x2048xf32, #tpu.memory_space<hbm>> -> memref<1x16x2048xf32, #tpu.memory_space<hbm>>
    %dma_start3A_302 = tpu.memref_squeeze %dma_start3A_301 : memref<1x16x2048xf32, #tpu.memory_space<hbm>> -> memref<16x2048xf32, #tpu.memory_space<hbm>>
    %dma_start3A_303 = arith.constant 0 : i32
    %dma_start3A_304 = tpu.memref_slice %arg3[%shift_right_logical3A_3, %add3A_299, %dma_start3A_303] : memref<4x2048x2048xf32, #tpu.memory_space<hbm>> -> memref<1x16x2048xf32, #tpu.memory_space<hbm>>
    %dma_start3A_305 = tpu.memref_squeeze %dma_start3A_304 : memref<1x16x2048xf32, #tpu.memory_space<hbm>> -> memref<16x2048xf32, #tpu.memory_space<hbm>>
    tpu.enqueue_dma source(%arg4 : memref<16x2048xf32, #tpu.memory_space<vmem>>) target(%dma_start3A_305 : memref<16x2048xf32, #tpu.memory_space<hbm>>) target_semaphore(%arg7 : memref<!tpu.dma_semaphore, #tpu.memory_space<semaphore_mem>>)
    %dma_wait3A_306 = arith.constant 0 : i32
    %dma_wait3A_307 = tpu.memref_slice %arg3[%shift_right_logical3A_3, %add3A_279, %dma_wait3A_306] : memref<4x2048x2048xf32, #tpu.memory_space<hbm>> -> memref<1x16x2048xf32, #tpu.memory_space<hbm>>
    %dma_wait3A_308 = tpu.memref_squeeze %dma_wait3A_307 : memref<1x16x2048xf32, #tpu.memory_space<hbm>> -> memref<16x2048xf32, #tpu.memory_space<hbm>>
    %dma_wait3A_309 = arith.constant 0 : i32
    %dma_wait3A_310 = tpu.memref_slice %arg3[%shift_right_logical3A_3, %add3A_279, %dma_wait3A_309] : memref<4x2048x2048xf32, #tpu.memory_space<hbm>> -> memref<1x16x2048xf32, #tpu.memory_space<hbm>>
    %dma_wait3A_311 = tpu.memref_squeeze %dma_wait3A_310 : memref<1x16x2048xf32, #tpu.memory_space<hbm>> -> memref<16x2048xf32, #tpu.memory_space<hbm>>
    tpu.wait_dma2 semaphore(%arg8 : memref<!tpu.dma_semaphore, #tpu.memory_space<semaphore_mem>>) src(%arg5 : memref<16x2048xf32, #tpu.memory_space<vmem>>) dst(%dma_wait3A_311 : memref<16x2048xf32, #tpu.memory_space<hbm>>)
    %get3A_312 = arith.index_cast %shift_right_logical3A_3 : i32 to index
    %get3A_313 = arith.constant 208 : index
    %get3A_314 = tpu.vector_load %arg6[%get3A_312, %get3A_313] {strides = array<i32>} : memref<4x256xi32, #tpu.memory_space<vmem>>, vector<16xi32>,
    tpu.vector_store_idx %arg5[%iota3A, %get3A_314], %broadcast_in_dim3A_5 : memref<16x2048xf32, #tpu.memory_space<vmem>>[vector<16xi32>, vector<16xi32>], vector<16xf32>,
    %get3A_315 = arith.index_cast %shift_right_logical3A_3 : i32 to index
    %get3A_316 = arith.constant 240 : index
    %get3A_317 = tpu.vector_load %arg6[%get3A_315, %get3A_316] {strides = array<i32>} : memref<4x256xi32, #tpu.memory_space<vmem>>, vector<16xi32>,
    tpu.vector_store_idx %arg5[%iota3A, %get3A_317], %broadcast_in_dim3A_7 : memref<16x2048xf32, #tpu.memory_space<vmem>>[vector<16xi32>, vector<16xi32>], vector<16xf32>,
    %add3A_318 = arith.constant 240 : i32
    %add3A_319 = arith.addi %multiple_of3A, %add3A_318 : i32
    %dma_start3A_320 = arith.constant 0 : i32
    %dma_start3A_321 = tpu.memref_slice %arg3[%shift_right_logical3A_3, %add3A_319, %dma_start3A_320] : memref<4x2048x2048xf32, #tpu.memory_space<hbm>> -> memref<1x16x2048xf32, #tpu.memory_space<hbm>>
    %dma_start3A_322 = tpu.memref_squeeze %dma_start3A_321 : memref<1x16x2048xf32, #tpu.memory_space<hbm>> -> memref<16x2048xf32, #tpu.memory_space<hbm>>
    %dma_start3A_323 = arith.constant 0 : i32
    %dma_start3A_324 = tpu.memref_slice %arg3[%shift_right_logical3A_3, %add3A_319, %dma_start3A_323] : memref<4x2048x2048xf32, #tpu.memory_space<hbm>> -> memref<1x16x2048xf32, #tpu.memory_space<hbm>>
    %dma_start3A_325 = tpu.memref_squeeze %dma_start3A_324 : memref<1x16x2048xf32, #tpu.memory_space<hbm>> -> memref<16x2048xf32, #tpu.memory_space<hbm>>
    tpu.enqueue_dma source(%arg5 : memref<16x2048xf32, #tpu.memory_space<vmem>>) target(%dma_start3A_325 : memref<16x2048xf32, #tpu.memory_space<hbm>>) target_semaphore(%arg8 : memref<!tpu.dma_semaphore, #tpu.memory_space<semaphore_mem>>)
    %dma_wait3A_326 = arith.constant 0 : i32
    %dma_wait3A_327 = tpu.memref_slice %arg3[%shift_right_logical3A_3, %add3A_299, %dma_wait3A_326] : memref<4x2048x2048xf32, #tpu.memory_space<hbm>> -> memref<1x16x2048xf32, #tpu.memory_space<hbm>>
    %dma_wait3A_328 = tpu.memref_squeeze %dma_wait3A_327 : memref<1x16x2048xf32, #tpu.memory_space<hbm>> -> memref<16x2048xf32, #tpu.memory_space<hbm>>
    %dma_wait3A_329 = arith.constant 0 : i32
    %dma_wait3A_330 = tpu.memref_slice %arg3[%shift_right_logical3A_3, %add3A_299, %dma_wait3A_329] : memref<4x2048x2048xf32, #tpu.memory_space<hbm>> -> memref<1x16x2048xf32, #tpu.memory_space<hbm>>
    %dma_wait3A_331 = tpu.memref_squeeze %dma_wait3A_330 : memref<1x16x2048xf32, #tpu.memory_space<hbm>> -> memref<16x2048xf32, #tpu.memory_space<hbm>>
    tpu.wait_dma2 semaphore(%arg7 : memref<!tpu.dma_semaphore, #tpu.memory_space<semaphore_mem>>) src(%arg4 : memref<16x2048xf32, #tpu.memory_space<vmem>>) dst(%dma_wait3A_331 : memref<16x2048xf32, #tpu.memory_space<hbm>>)
    %dma_wait3A_332 = arith.constant 0 : i32
    %dma_wait3A_333 = tpu.memref_slice %arg3[%shift_right_logical3A_3, %add3A_319, %dma_wait3A_332] : memref<4x2048x2048xf32, #tpu.memory_space<hbm>> -> memref<1x16x2048xf32, #tpu.memory_space<hbm>>
    %dma_wait3A_334 = tpu.memref_squeeze %dma_wait3A_333 : memref<1x16x2048xf32, #tpu.memory_space<hbm>> -> memref<16x2048xf32, #tpu.memory_space<hbm>>
    %dma_wait3A_335 = arith.constant 0 : i32
    %dma_wait3A_336 = tpu.memref_slice %arg3[%shift_right_logical3A_3, %add3A_319, %dma_wait3A_335] : memref<4x2048x2048xf32, #tpu.memory_space<hbm>> -> memref<1x16x2048xf32, #tpu.memory_space<hbm>>
    %dma_wait3A_337 = tpu.memref_squeeze %dma_wait3A_336 : memref<1x16x2048xf32, #tpu.memory_space<hbm>> -> memref<16x2048xf32, #tpu.memory_space<hbm>>
    tpu.wait_dma2 semaphore(%arg8 : memref<!tpu.dma_semaphore, #tpu.memory_space<semaphore_mem>>) src(%arg5 : memref<16x2048xf32, #tpu.memory_space<vmem>>) dst(%dma_wait3A_337 : memref<16x2048xf32, #tpu.memory_space<hbm>>)
    return
  }
}

</mosaic_0001>

<sc_bundles>
// kernel: kernel.3.cloned.1.call-start
scs
__scs_entry_jumppad:
0x0: {  	(pc) =	sbr.rel $0x88, $3  }
0x1: {  	(tag) =	ssettag $0x0;
	lr =	simm.s32 $0x1  }
0x2: {  	[smem:$0x3FA0] =	sst lr;
	_ =	strace $0xD0000000  }
0x3: {  	_ = 	snop  }
0x4: {  	_ = 	snop  }
0x5: {  	_ = 	snop  }
0x6: {  	_ = 	snop  }
0x7: {  	_ = 	snop  }
__scs_overlays_trampoline_lowered:
0x8: {  	[smem:$0x3FAF] =	sst s0  }
0x9: {  	[smem:$0x3FB0] =	sst s1  }
0xa: {  	[smem:$0x3FB1] =	sst s2  }
0xb: {  	[smem:$0x3FB2] =	sst s3  }
0xc: {  	[smem:$0x3FB3] =	sst s4  }
0xd: {  	[smem:$0x3FB4] =	sst s5  }
0xe: {  	[smem:$0x3FB5] =	sst s6  }
0xf: {  	[smem:$0x3FB6] =	sst s7  }
0x10: {  	[smem:$0x3FB7] =	sst s8  }
0x11: {  	[smem:$0x3FB8] =	sst s9;
	s0 =	simm.s32 @!p0 $0x0  }
0x12: {  	s1 =	sld [smem:$0x3F9E];
	s0 =	simm.s32 @p0 $0x1  }
0x13: {  	[smem:$0x3FB9] =	sst s0;
	s0 =	simm.s32 @!p1 $0x0  }
0x14: {  	s2 =	sld [smem:$0x3F9D];
	s0 =	simm.s32 @p1 $0x1  }
0x15: {  	[smem:$0x3FBA] =	sst s0;
	s0 =	simm.s32 @!p2 $0x0  }
0x16: {  	s3 =	sld [smem:$0x3FDB];
	s0 =	simm.s32 @p2 $0x1  }
0x17: {  	s4 =	simm.s32 $0x1BF5;
	[smem:$0x3FBC] =	sst s0  }
0x18: {  	s0 =	sld [smem:$0x3F9F];
	_ =	swait.ge [sflag:s4], $0x0  }
0x19: {  	s7 =	sld [smem:$0x3FA0]  }
0x1a: {  	s8 =	sadd.s32 $0xFFFFE003, lr  }
0x1b: {  	s9 =	sadd.s32 $0xFFFFFEF7, lr;
	s5 =	simm.s32 $0xFFFFFFFF;
	p2 =	slt.u32 s8, $0xFFFFF086  }
0x1c: {  	p1 =	slt.u32 s9, $0xF7A;
	s5 =	simm.s32 @!p2 $0x0  }
0x1d: {  	s5 =	simm.s32 @p1 $0x1;
	p0 =	seq.s32 s7, s2  }
0x1e: {  	s7 =	smul.u32 @!p0 $0xF7A, s2;
	p2 =	seq.s32 @!p0 s5, $0x0  }
0x1f: {  	s9 =	smul.u32 $0xF7A, s1;
	s8 =	simm.s32 @!p0 $0x1BF5;
	p2 =	por !p2, p0  }
0x20: {  	[sflag:s8] =	ssyncset.s32 @!p0 $0xFFFFF086;
	s6 =	sadd.s32 @!p0 s3, s7;
	s7 =	simm.s32 @!p0 $0x108  }
0x21: {  	s3 =	sadd.s32 s3, s9;
	s6 =	sadd.s32 @!p0 $0x88, s6;
	s7 =	simm.s32 @p2 $0x1082  }
0x22: {  	[simem:s7], [sflag:s8] =	dma.local @!p0 [hbm:s6], $0xF7A  }
0x23: {  	s9 =	sor.u32 $0xD0000000, s2;
	s6 =	simm.s32 $0x108;
	_ =	swait.ge @!p0 [sflag:s8], $0x0  }
0x24: {  	s3 =	sadd.s32 $0x88, s3;
	s6 =	simm.s32 @!p1 $0x1082;
	[sflag:s4] =	ssyncset.s32 $0xFFFFF086  }
0x25: {  	[simem:s6], [sflag:s4] =	dma.local [hbm:s3], $0xF7A  }
0x26: {  	[smem:$0x3FA0] =	sst s1;
	(tag) =	ssettag s2;
	_ =	strace s9  }
0x27: {  	s1 =	sld [smem:$0x3FB0]  }
0x28: {  	s2 =	sld [smem:$0x3FB1]  }
0x29: {  	s4 =	sld [smem:$0x3FB3]  }
0x2a: {  	p0 =	seq.s32 s5, $0x0;
	s5 =	sld [smem:$0x3FB4]  }
0x2b: {  	s6 =	sld [smem:$0x3FB5]  }
0x2c: {  	s7 =	sld [smem:$0x3FB6]  }
0x2d: {  	s3 =	simm.s32 $0x108;
	s8 =	sld [smem:$0x3FB7]  }
0x2e: {  	s3 =	simm.s32 @!p0 $0x1082;
	s9 =	sld [smem:$0x3FB8]  }
0x2f: {  	lr =	sadd.s32 s0, s3;
	s0 =	sld [smem:$0x3FAF]  }
0x30: {  	s3 =	sld [smem:$0x3FB2]  }
0x31: {  	[smem:$0x3FBB] =	sst s10  }
0x32: {  	s10 =	sld [smem:$0x3FB9];
	_ =	sdelay $0x3  }
0x33: {  	p0 =	seq.s32 s10, $0x1;
	s10 =	sld [smem:$0x3FBB];
	_ =	sdelay $0x3  }
0x34: {  	[smem:$0x3FBB] =	sst s10  }
0x35: {  	s10 =	sld [smem:$0x3FBA];
	_ =	sdelay $0x3  }
0x36: {  	p1 =	seq.s32 s10, $0x1;
	s10 =	sld [smem:$0x3FBB];
	_ =	sdelay $0x3  }
0x37: {  	[smem:$0x3FBB] =	sst s10  }
0x38: {  	s10 =	sld [smem:$0x3FBC]  }
0x39: {  	_ = 	snop;
	(pc) =	sbr.ind lr, $3  }
0x3a: {  	_ = 	snop  }
0x3b: {  	_ = 	snop  }
0x3c: {  	p2 =	seq.s32 s10, $0x1;
	s10 =	sld [smem:$0x3FBB]  }
0x3d: {  	_ =	shalt  }
0x3e: {  	_ =	shalt  }
0x3f: {  	_ =	shalt  }
0x40: {  	_ =	shalt  }
0x41: {  	_ =	shalt  }
0x42: {  	_ =	shalt  }
0x43: {  	_ =	shalt  }
0x44: {  	_ =	shalt  }
0x45: {  	_ =	shalt  }
0x46: {  	_ =	shalt  }
0x47: {  	_ =	shalt  }
0x48: {  	_ =	shalt  }
0x49: {  	_ =	shalt  }
0x4a: {  	_ =	shalt  }
0x4b: {  	_ =	shalt  }
0x4c: {  	_ =	shalt  }
0x4d: {  	_ =	shalt  }
0x4e: {  	_ =	shalt  }
0x4f: {  	_ =	shalt  }
0x50: {  	_ =	shalt  }
0x51: {  	_ =	shalt  }
0x52: {  	_ =	shalt  }
0x53: {  	_ =	shalt  }
0x54: {  	_ =	shalt  }
0x55: {  	_ =	shalt  }
0x56: {  	_ =	shalt  }
0x57: {  	_ =	shalt  }
0x58: {  	_ =	shalt  }
0x59: {  	_ =	shalt  }
0x5a: {  	_ =	shalt  }
0x5b: {  	_ =	shalt  }
0x5c: {  	_ =	shalt  }
0x5d: {  	_ =	shalt  }
0x5e: {  	_ =	shalt  }
0x5f: {  	_ =	shalt  }
0x60: {  	_ =	shalt  }
0x61: {  	_ =	shalt  }
0x62: {  	_ =	shalt  }
0x63: {  	_ =	shalt  }
0x64: {  	_ =	shalt  }
0x65: {  	_ =	shalt  }
0x66: {  	_ =	shalt  }
0x67: {  	_ =	shalt  }
0x68: {  	_ =	shalt  }
0x69: {  	_ =	shalt  }
0x6a: {  	_ =	shalt  }
0x6b: {  	_ =	shalt  }
0x6c: {  	_ =	shalt  }
0x6d: {  	_ =	shalt  }
0x6e: {  	_ =	shalt  }
0x6f: {  	_ =	shalt  }
0x70: {  	_ =	shalt  }
0x71: {  	_ =	shalt  }
0x72: {  	_ =	shalt  }
0x73: {  	_ =	shalt  }
0x74: {  	_ =	shalt  }
0x75: {  	_ =	shalt  }
0x76: {  	_ =	shalt  }
0x77: {  	_ =	shalt  }
0x78: {  	_ =	shalt  }
0x79: {  	_ =	shalt  }
0x7a: {  	_ =	shalt  }
0x7b: {  	_ =	shalt  }
0x7c: {  	_ =	shalt  }
0x7d: {  	_ =	shalt  }
0x7e: {  	_ =	shalt  }
0x7f: {  	_ =	shalt  }
0x80: {  	_ =	shalt  }
0x81: {  	_ =	shalt  }
0x82: {  	_ =	shalt  }
0x83: {  	_ =	shalt  }
0x84: {  	_ =	shalt  }
0x85: {  	_ =	shalt  }
0x86: {  	_ =	shalt  }
0x87: {  	_ =	shalt  }
.Lfunc_end0:
.L_simem_size_0:
called_computation_lowered:
.L_overlay_start_0:
0x88: {  	s2 =	sld [smem:$0x3FD9]  }
0x89: {  	s3 =	sld [smem:$0x3FFE];
	_ =	sdelay $0x1  }
0x8a: {  	s1 =	srdreg.scid  }
0x8b: {  	s0 =	sand.u32 $0x1, s1  }
0x8c: {  	s18 =	sshll.u32 s0, $0xA;
	s2 =	sadd.s32 s3, s2  }
0x8d: {  	s2 =	sadd.s32 s2, s18  }
0x8e: {  	[smem:$0x3FC7] =	sst s2  }
0x8f: {  	_ = 	snop  }
0x90: {  	s2 =	sld [smem:$0x3FC9]  }
0x91: {  	s19 =	sld [smem:$0x3FD0];
	(tm) =	ssettm $0x1  }
0x92: {  	s4 =	sld [smem:$0x3FFB];
	_ =	sdelay $0x3  }
0x93: {  	_ =	strace s4  }
0x94: {  	s4 =	sld [smem:$0x3FFC];
	_ =	sdelay $0x3  }
0x95: {  	_ =	strace s4  }
0x96: {  	s4 =	sld [smem:$0x3FFD];
	_ =	sdelay $0x3  }
0x97: {  	_ =	strace s4  }
0x98: {  	_ =	strace $0x8FFFFFFF  }
0x99: {  	s20 =	sld [smem:$0x3FDB];
	_ =	sdelay $0x1  }
0x9a: {  	s5 =	simm.s32 $_scs_section_size  }
0x9b: {  	s6 =	simm.s32 $_size__tile_overlayer_lowered;
	s7 =	simm.s32 $_tile_overlayer_lowered  }
0x9c: {  	s23 =	simm.s32 $0x1BFF;
	s22 =	sshll.u32 s7, $0x1;
	s4 =	sadd.s32 s5, s20  }
0x9d: {  	s8 =	simm.s32 $0x0;
	s21 =	sshll.u32 s6, $0x1;
	s6 =	sadd.s32 s22, s4  }
0x9e: {  	[timem:s8], [sflag:s23] =	dma.local [hbm:s6], s21  }
0x9f: {  	_ =	swait.ge [sflag:s23], s21  }
0xa0: {  	s5 =	ssub.s32 $0x0, s21;
	[sflag:s23] =	ssyncset.done $0x0  }
0xa1: {  	[sflag:s23] =	ssyncadd.s32 s5;
	_ =	sdelay $0x1  }
0xa2: {  	s24 =	simm.s32 $0x1B8B  }
0xa3: {  	_ =	swait.ge [sflag:s24], $0x1  }
0xa4: {  	[sflag:s24] =	ssyncset.done $0x0  }
0xa5: {  	s25 =	simm.s32 $0x1B8E;
	[sflag:s24] =	ssyncadd.s32 $0xFFFFFFFF  }
0xa6: {  	s26 =	simm.s32 $execute0_lowered;
	[smem:$0x3FD2] =	sst s25  }
0xa7: {  	s5 =	sshll.u32 s26, $0x1;
	_ =	strace $0x80000046;
	[dreg:$0x1] =	wrdreg $0xFFFFFFFF  }
0xa8: {  	s28 =	simm.s32 $_size_execute0_lowered;
	s4 =	sadd.s32 s4, s5;
	[dreg:$0x0] =	wrdreg $0x0  }
0xa9: {  	s5 =	sshll.u32 s28, $0x1;
	[dreg:$0x2] =	wrdreg s4  }
0xaa: {  	[dreg:$0x3] =	wrdreg s5  }
0xab: {  	[dreg:$0x4] =	wrdreg $0xC0  }
0xac: {  	_ =	task [dreg:s8], $0x5FFFF  }
0xad: {  	[dreg:$0x1] =	wrdreg $0xFFFFFFFF  }
0xae: {  	[dreg:$0x0] =	wrdreg $0x60  }
0xaf: {  	[dreg:$0x2] =	wrdreg s2  }
0xb0: {  	[dreg:$0x3] =	wrdreg s19  }
0xb1: {  	[dreg:$0x4] =	wrdreg $0x9  }
0xb2: {  	_ =	task.clear_ibuf [dreg:s8], $0x5FFFF;
	_ =	strace $0x90000046  }
0xb3: {  	s29 =	simm.s32 $0x9;
	_ =	strace $0x80000048  }
0xb4: {  	_ =	swait.ge [sflag:s29], $0x1  }
0xb5: {  	[sflag:s29] =	ssyncadd.s32 $0xFFFFFFFF  }
0xb6: {  	_ =	strace $0x90000048  }
0xb7: {  	_ =	sfence  }
0xb8: {  	s30 =	sld [smem:$0x0];
	_ =	sdelay $0x2  }
0xb9: {  	s31 =	sshll.u32 s1, $0xD;
	s1 =	sshrl.u32 s1, $0x2  }
0xba: {  	s3 =	sand.u32 $0x4000, s31;
	s1 =	sadd.s32 s1, s30  }
0xbb: {  	s0 =	sor.u32 s3, s0;
	s1 =	sshll.u32 s1, $0x11  }
0xbc: {  	s0 =	sor.u32 s1, s0  }
0xbd: {  	s0 =	sadd.s32 $0x8F2B, s0  }
0xbe: {  	[sflag:s0] =	ssyncadd.remote.s32 $0x1  }
0xbf: {  	_ =	sfence.sel $0xFFFF  }
0xc0: {  	[dreg:$0x0] =	wrdreg $0xFFFFFFFF;
	(pc) =	sbr.abs _section_cstart, $3  }
0xc1: {  	[dreg:$0x1] =	wrdreg $0xFFFFFFFF  }
0xc2: {  	_ =	task.clear_ibuf [dreg:s8], $0x2FFFF;
	_ =	strace $0x9FFFFFFF  }
0xc3: {  	(tm) =	ssettm $0x7FFFFFFF  }
tec
execute0_lowered:
.L_overlay_start_1:
0x0: {  	(tag) =	ssettag $0x1  }
0x1: {  	s0 =	rddreg [dreg:$0x0];
	v0 =	vimm.s32 $0x4380;
	vm0 =	vcmask $0x300  }
0x2: {  	s5 =	rddreg [dreg:$0x1];
	vm14 =	vcmask $0x704;
	v0 =	vsel vm0, $0x0, v0  }
0x3: {  	s3 =	srdreg.scid;
	s2 =	simm.s32 $0x0;
	s1 =	stileid.u32;
	vm15 =	vcmask $0xB08;
	v0 =	vsel vm14, $0x80, v0  }
0x4: {  	vm4 =	vcmask $0xF0C;
	s22 =	simm.s32 $0x10000;
	s23 =	simm.s32 $0x2;
	s24 =	simm.s32 $0x8000;
	v0 =	vsel vm15, $0x100, v0  }
0x5: {  	vm5 =	vcmask $0x1310;
	s25 =	simm.s32 $0x1;
	s26 =	simm.s32 $0x0;
	s3 =	sand.u32 $0x1, s3;
	v0 =	vsel vm4, $0x180, v0  }
0x6: {  	vm6 =	vcmask $0x1714;
	[smem:$0x7FF] =	sst s2;
	s6 =	sshll.u32 s1, $0x8;
	s4 =	sshll.u32 s3, $0xC;
	v0 =	vsel vm5, $0x200, v0  }
0x7: {  	vm7 =	vcmask $0x1B18;
	_ =	strace $0x80000047;
	s3 =	ssub.s32 $0x2, s3;
	s4 =	sor.u32 s6, s4;
	v0 =	vsel vm6, $0x280, v0  }
0x8: {  	vm8 =	vcmask $0x1F1C;
	s6 =	sand.u32 $0x700, s6;
	s7 =	sshrl.u32 s3, $0x1;
	s4 =	sshrl.u32 s4, $0xB;
	v0 =	vsel vm7, $0x300, v0  }
0x9: {  	vm9 =	vcmask $0x2320;
	s9 =	sshll.u32 s6, $0x8;
	s30 =	sshrl.u32 s6, $0x1;
	s8 =	sshll.u32 s4, $0x13;
	v0 =	vsel vm8, $0x380, v0  }
0xa: {  	vm10 =	vcmask $0x2724;
	s21 =	ssub.s32 s3, s7;
	s3 =	sadd.s32 s0, s30;
	s31 =	sor.u32 s9, s8;
	v0 =	vsel vm9, $0x4000, v0  }
0xb: {  	vm11 =	vcmask $0x2B28;
	s4 =	sshll.u32 s4, $0x7;
	s21 =	smax.u32 s21, $0x1;
	s5 =	sadd.s32 s5, s31;
	v0 =	vsel vm10, $0x4080, v0  }
0xc: {  	vm12 =	vcmask $0x2F2C;
	s6 =	sadd.s32 $0x1000, s5;
	s7 =	sadd.s32 $0x2000, s5;
	s8 =	sadd.s32 $0x3000, s5;
	v0 =	vsel vm11, $0x4100, v0  }
0xd: {  	vm13 =	vcmask $0x3330;
	s9 =	sadd.s32 $0x4000, s5;
	s10 =	sadd.s32 $0x5000, s5;
	s11 =	sadd.s32 $0x6000, s5;
	v0 =	vsel vm12, $0x4180, v0  }
0xe: {  	vm14 =	vcmask $0x3734;
	s12 =	sadd.s32 $0x7000, s5;
	s13 =	sadd.s32 $0x8000, s5;
	s14 =	sadd.s32 $0x9000, s5;
	v0 =	vsel vm13, $0x4200, v0  }
0xf: {  	vm15 =	vcmask $0x3B38;
	s15 =	sadd.s32 $0xA000, s5;
	s16 =	sadd.s32 $0xB000, s5;
	s17 =	sadd.s32 $0xC000, s5;
	v1 =	vsel vm14, $0x4280, v0  }
0x10: {  	v2 =	vimm.f32 $1.000000000e+00;
	s18 =	sadd.s32 $0xD000, s5;
	s19 =	sadd.s32 $0xE000, s5;
	s20 =	sadd.s32 $0xF000, s5;
	v0 =	vimm.f32 $-Inf;
	v1 =	vsel vm15, $0x4300, v1  }
.LBB2_1:
0x11: {  	[tilespmem:s22], [sflag:$0x2] =	stream.linear.gather [hbm4b:s3+s2], $0x400, $0x38;
	[tilespmem:$0x10400] =	vst v63  }
0x12: {  	s28 =	simm.s32 $0xFFFF8000  }
0x13: {  	s29 =	simm.s32 $0x0;
	s30 =	simm.s32 $0x0;
	s31 =	simm.s32 $0x0  }
.LBB2_2:
0x14: {  	s0 =	sadd.s32 $0x8000, s28  }
0x15: {  	s1 =	sand.u32 $0x380, s31;
	s0 =	sand.u32 $0x4000, s0  }
0x16: {  	s0 =	sor.u32 s1, s0  }
0x17: {  	[tilespmem:s0+$0x0] =	vst v0  }
0x18: {  	[tilespmem:s0+$0x10] =	vst v0  }
0x19: {  	[tilespmem:s0+$0x20] =	vst v0  }
0x1a: {  	[tilespmem:s0+$0x30] =	vst v0  }
0x1b: {  	[tilespmem:s0+$0x40] =	vst v0  }
0x1c: {  	[tilespmem:s0+$0x50] =	vst v0  }
0x1d: {  	[tilespmem:s0+$0x60] =	vst v0  }
0x1e: {  	[tilespmem:s0+$0x70] =	vst v0  }
0x1f: {  	[tilespmem:s0+$0x400] =	vst v0  }
0x20: {  	[tilespmem:s0+$0x410] =	vst v0  }
0x21: {  	[tilespmem:s0+$0x420] =	vst v0  }
0x22: {  	[tilespmem:s0+$0x430] =	vst v0  }
0x23: {  	[tilespmem:s0+$0x440] =	vst v0  }
0x24: {  	[tilespmem:s0+$0x450] =	vst v0  }
0x25: {  	[tilespmem:s0+$0x460] =	vst v0  }
0x26: {  	[tilespmem:s0+$0x470] =	vst v0  }
0x27: {  	[tilespmem:s0+$0x800] =	vst v0  }
0x28: {  	[tilespmem:s0+$0x810] =	vst v0  }
0x29: {  	[tilespmem:s0+$0x820] =	vst v0  }
0x2a: {  	[tilespmem:s0+$0x830] =	vst v0  }
0x2b: {  	[tilespmem:s0+$0x840] =	vst v0  }
0x2c: {  	[tilespmem:s0+$0x850] =	vst v0  }
0x2d: {  	[tilespmem:s0+$0x860] =	vst v0  }
0x2e: {  	[tilespmem:s0+$0x870] =	vst v0  }
0x2f: {  	[tilespmem:s0+$0xC00] =	vst v0  }
0x30: {  	[tilespmem:s0+$0xC10] =	vst v0  }
0x31: {  	[tilespmem:s0+$0xC20] =	vst v0  }
0x32: {  	[tilespmem:s0+$0xC30] =	vst v0  }
0x33: {  	[tilespmem:s0+$0xC40] =	vst v0  }
0x34: {  	[tilespmem:s0+$0xC50] =	vst v0  }
0x35: {  	[tilespmem:s0+$0xC60] =	vst v0  }
0x36: {  	[tilespmem:s0+$0xC70] =	vst v0  }
0x37: {  	[tilespmem:s0+$0x1000] =	vst v0  }
0x38: {  	[tilespmem:s0+$0x1010] =	vst v0  }
0x39: {  	[tilespmem:s0+$0x1020] =	vst v0  }
0x3a: {  	[tilespmem:s0+$0x1030] =	vst v0  }
0x3b: {  	[tilespmem:s0+$0x1040] =	vst v0  }
0x3c: {  	[tilespmem:s0+$0x1050] =	vst v0  }
0x3d: {  	[tilespmem:s0+$0x1060] =	vst v0  }
0x3e: {  	[tilespmem:s0+$0x1070] =	vst v0  }
0x3f: {  	[tilespmem:s0+$0x1400] =	vst v0  }
0x40: {  	[tilespmem:s0+$0x1410] =	vst v0  }
0x41: {  	[tilespmem:s0+$0x1420] =	vst v0  }
0x42: {  	[tilespmem:s0+$0x1430] =	vst v0  }
0x43: {  	[tilespmem:s0+$0x1440] =	vst v0  }
0x44: {  	[tilespmem:s0+$0x1450] =	vst v0  }
0x45: {  	[tilespmem:s0+$0x1460] =	vst v0  }
0x46: {  	[tilespmem:s0+$0x1470] =	vst v0  }
0x47: {  	[tilespmem:s0+$0x1800] =	vst v0  }
0x48: {  	[tilespmem:s0+$0x1810] =	vst v0  }
0x49: {  	[tilespmem:s0+$0x1820] =	vst v0  }
0x4a: {  	[tilespmem:s0+$0x1830] =	vst v0  }
0x4b: {  	[tilespmem:s0+$0x1840] =	vst v0  }
0x4c: {  	[tilespmem:s0+$0x1850] =	vst v0  }
0x4d: {  	[tilespmem:s0+$0x1860] =	vst v0  }
0x4e: {  	[tilespmem:s0+$0x1870] =	vst v0  }
0x4f: {  	[tilespmem:s0+$0x1C00] =	vst v0  }
0x50: {  	[tilespmem:s0+$0x1C10] =	vst v0  }
0x51: {  	[tilespmem:s0+$0x1C20] =	vst v0  }
0x52: {  	[tilespmem:s0+$0x1C30] =	vst v0  }
0x53: {  	[tilespmem:s0+$0x1C40] =	vst v0  }
0x54: {  	[tilespmem:s0+$0x1C50] =	vst v0  }
0x55: {  	[tilespmem:s0+$0x1C60] =	vst v0  }
0x56: {  	[tilespmem:s0+$0x1C70] =	vst v0  }
0x57: {  	[tilespmem:s0+$0x2000] =	vst v0  }
0x58: {  	[tilespmem:s0+$0x2010] =	vst v0  }
0x59: {  	[tilespmem:s0+$0x2020] =	vst v0  }
0x5a: {  	[tilespmem:s0+$0x2030] =	vst v0  }
0x5b: {  	[tilespmem:s0+$0x2040] =	vst v0  }
0x5c: {  	[tilespmem:s0+$0x2050] =	vst v0  }
0x5d: {  	[tilespmem:s0+$0x2060] =	vst v0  }
0x5e: {  	[tilespmem:s0+$0x2070] =	vst v0  }
0x5f: {  	[tilespmem:s0+$0x2400] =	vst v0  }
0x60: {  	[tilespmem:s0+$0x2410] =	vst v0  }
0x61: {  	[tilespmem:s0+$0x2420] =	vst v0  }
0x62: {  	[tilespmem:s0+$0x2430] =	vst v0  }
0x63: {  	[tilespmem:s0+$0x2440] =	vst v0  }
0x64: {  	[tilespmem:s0+$0x2450] =	vst v0  }
0x65: {  	[tilespmem:s0+$0x2460] =	vst v0  }
0x66: {  	[tilespmem:s0+$0x2470] =	vst v0  }
0x67: {  	[tilespmem:s0+$0x2800] =	vst v0  }
0x68: {  	[tilespmem:s0+$0x2810] =	vst v0  }
0x69: {  	[tilespmem:s0+$0x2820] =	vst v0  }
0x6a: {  	[tilespmem:s0+$0x2830] =	vst v0  }
0x6b: {  	[tilespmem:s0+$0x2840] =	vst v0  }
0x6c: {  	[tilespmem:s0+$0x2850] =	vst v0  }
0x6d: {  	[tilespmem:s0+$0x2860] =	vst v0  }
0x6e: {  	[tilespmem:s0+$0x2870] =	vst v0  }
0x6f: {  	[tilespmem:s0+$0x2C00] =	vst v0  }
0x70: {  	[tilespmem:s0+$0x2C10] =	vst v0  }
0x71: {  	[tilespmem:s0+$0x2C20] =	vst v0  }
0x72: {  	[tilespmem:s0+$0x2C30] =	vst v0  }
0x73: {  	[tilespmem:s0+$0x2C40] =	vst v0  }
0x74: {  	[tilespmem:s0+$0x2C50] =	vst v0  }
0x75: {  	[tilespmem:s0+$0x2C60] =	vst v0  }
0x76: {  	[tilespmem:s0+$0x2C70] =	vst v0  }
0x77: {  	[tilespmem:s0+$0x3000] =	vst v0  }
0x78: {  	[tilespmem:s0+$0x3010] =	vst v0  }
0x79: {  	[tilespmem:s0+$0x3020] =	vst v0  }
0x7a: {  	[tilespmem:s0+$0x3030] =	vst v0  }
0x7b: {  	[tilespmem:s0+$0x3040] =	vst v0  }
0x7c: {  	[tilespmem:s0+$0x3050] =	vst v0  }
0x7d: {  	[tilespmem:s0+$0x3060] =	vst v0  }
0x7e: {  	[tilespmem:s0+$0x3070] =	vst v0  }
0x7f: {  	[tilespmem:s0+$0x3400] =	vst v0  }
0x80: {  	[tilespmem:s0+$0x3410] =	vst v0  }
0x81: {  	[tilespmem:s0+$0x3420] =	vst v0  }
0x82: {  	[tilespmem:s0+$0x3430] =	vst v0  }
0x83: {  	s1 =	sand.u32 $0x7, s29;
	[tilespmem:s0+$0x3440] =	vst v0  }
0x84: {  	s1 =	sshll.u32 s1, $0x7;
	[tilespmem:s0+$0x3450] =	vst v0  }
0x85: {  	[tilespmem:s0+$0x3460] =	vst v0;
	s1 =	sadd.s32 s1, s30  }
0x86: {  	[tilespmem:s0+$0x3470] =	vst v0;
	s0 =	sor.u32 $0x3800, s1  }
0x87: {  	[tilespmem:s0+$0x0] =	vst v0;
	s0 =	sor.u32 $0x3810, s1  }
0x88: {  	[tilespmem:s0+$0x0] =	vst v0;
	s0 =	sor.u32 $0x3820, s1  }
0x89: {  	[tilespmem:s0+$0x0] =	vst v0;
	s0 =	sor.u32 $0x3830, s1  }
0x8a: {  	[tilespmem:s0+$0x0] =	vst v0;
	s0 =	sor.u32 $0x3840, s1  }
0x8b: {  	[tilespmem:s0+$0x0] =	vst v0;
	s0 =	sor.u32 $0x3850, s1  }
0x8c: {  	[tilespmem:s0+$0x0] =	vst v0;
	s0 =	sor.u32 $0x3860, s1  }
0x8d: {  	[tilespmem:s0+$0x0] =	vst v0;
	s0 =	sor.u32 $0x3870, s1  }
0x8e: {  	[tilespmem:s0+$0x0] =	vst v0;
	s0 =	sor.u32 $0x3C00, s1  }
0x8f: {  	[tilespmem:s0+$0x0] =	vst v0;
	s0 =	sor.u32 $0x3C10, s1  }
0x90: {  	[tilespmem:s0+$0x0] =	vst v0;
	s0 =	sor.u32 $0x3C20, s1  }
0x91: {  	p0 =	sne.s32 s31, $0x780;
	[tilespmem:s0+$0x0] =	vst v0;
	s0 =	sor.u32 $0x3C30, s1  }
.Ltmp0:
0x92: {  	[tilespmem:s0+$0x0] =	vst v0;
	s0 =	sor.u32 $0x3C40, s1;
	(pc) =	sbr.rel @p0 .LBB2_2-.Ltmp0, $4  }
0x93: {  	[tilespmem:s0+$0x0] =	vst v0;
	s0 =	sor.u32 $0x3C50, s1  }
0x94: {  	[tilespmem:s0+$0x0] =	vst v0;
	s0 =	sor.u32 $0x3C60, s1  }
0x95: {  	s28 =	sadd.s32 $0x800, s28;
	s1 =	sor.u32 $0x3C70, s1;
	[tilespmem:s0+$0x0] =	vst v0  }
0x96: {  	s31 =	sadd.s32 $0x80, s31;
	s29 =	sadd.s32 $0x1, s29;
	s30 =	sadd.s32 $0x800, s30;
	[tilespmem:s1+$0x0] =	vst v0  }
0x97: {  	_ =	swait.ge [sflag:s23], $0x400  }
0x98: {  	[sflag:s23] =	ssyncset.done $0x0  }
0x99: {  	[sflag:s23] =	ssyncadd.s32 $0xFFFFFC00  }
0x9a: {  	v3 =	vld [tilespmem:s4+$0x10000];
	_ =	sdelay $0x4  }
0x9b: {  	v4 =	vshll.u32 v3, $0x3  }
0x9c: {  	v3 =	vand.u32 $0x7F, v3;
	v4 =	vand.u32 $0xFFFFFC00, v4  }
0x9d: {  	v3 =	vor.u32 v3, v4  }
0x9e: {  	v3 =	vadd.s32 v1, v3;
	_ =	sdelay $0x3  }
0x9f: {  	s28 =	simm.s32 $0x0  }
0xa0: {  	s29 =	simm.s32 $0xFFFF8000;
	s30 =	simm.s32 $0x0;
	s31 =	simm.s32 $0x0;
	[tilespmem:v3+s28+$0x0] =	vst.idx.msk $0xffff, v2  }
0xa1: {  	[hbm4b:s5+s28] =	stream.linear.scatter [tilespmem:s28], [sflag:$0x1], $0x8000, $0x38;
	[tilespmem:$0x10400] =	vst v63  }
.LBB2_4:
0xa2: {  	s0 =	sadd.s32 $0x8000, s29  }
0xa3: {  	s1 =	sand.u32 $0x380, s31;
	s0 =	sand.u32 $0x4000, s0  }
0xa4: {  	s0 =	sor.u32 s1, s0  }
0xa5: {  	[tilespmem:s0+$0x8000] =	vst v0  }
0xa6: {  	[tilespmem:s0+$0x8010] =	vst v0  }
0xa7: {  	[tilespmem:s0+$0x8020] =	vst v0  }
0xa8: {  	[tilespmem:s0+$0x8030] =	vst v0  }
0xa9: {  	[tilespmem:s0+$0x8040] =	vst v0  }
0xaa: {  	[tilespmem:s0+$0x8050] =	vst v0  }
0xab: {  	[tilespmem:s0+$0x8060] =	vst v0  }
0xac: {  	[tilespmem:s0+$0x8070] =	vst v0  }
0xad: {  	[tilespmem:s0+$0x8400] =	vst v0  }
0xae: {  	[tilespmem:s0+$0x8410] =	vst v0  }
0xaf: {  	[tilespmem:s0+$0x8420] =	vst v0  }
0xb0: {  	[tilespmem:s0+$0x8430] =	vst v0  }
0xb1: {  	[tilespmem:s0+$0x8440] =	vst v0  }
0xb2: {  	[tilespmem:s0+$0x8450] =	vst v0  }
0xb3: {  	[tilespmem:s0+$0x8460] =	vst v0  }
0xb4: {  	[tilespmem:s0+$0x8470] =	vst v0  }
0xb5: {  	[tilespmem:s0+$0x8800] =	vst v0  }
0xb6: {  	[tilespmem:s0+$0x8810] =	vst v0  }
0xb7: {  	[tilespmem:s0+$0x8820] =	vst v0  }
0xb8: {  	[tilespmem:s0+$0x8830] =	vst v0  }
0xb9: {  	[tilespmem:s0+$0x8840] =	vst v0  }
0xba: {  	[tilespmem:s0+$0x8850] =	vst v0  }
0xbb: {  	[tilespmem:s0+$0x8860] =	vst v0  }
0xbc: {  	[tilespmem:s0+$0x8870] =	vst v0  }
0xbd: {  	[tilespmem:s0+$0x8C00] =	vst v0  }
0xbe: {  	[tilespmem:s0+$0x8C10] =	vst v0  }
0xbf: {  	[tilespmem:s0+$0x8C20] =	vst v0  }
0xc0: {  	[tilespmem:s0+$0x8C30] =	vst v0  }
0xc1: {  	[tilespmem:s0+$0x8C40] =	vst v0  }
0xc2: {  	[tilespmem:s0+$0x8C50] =	vst v0  }
0xc3: {  	[tilespmem:s0+$0x8C60] =	vst v0  }
0xc4: {  	[tilespmem:s0+$0x8C70] =	vst v0  }
0xc5: {  	[tilespmem:s0+$0x9000] =	vst v0  }
0xc6: {  	[tilespmem:s0+$0x9010] =	vst v0  }
0xc7: {  	[tilespmem:s0+$0x9020] =	vst v0  }
0xc8: {  	[tilespmem:s0+$0x9030] =	vst v0  }
0xc9: {  	[tilespmem:s0+$0x9040] =	vst v0  }
0xca: {  	[tilespmem:s0+$0x9050] =	vst v0  }
0xcb: {  	[tilespmem:s0+$0x9060] =	vst v0  }
0xcc: {  	[tilespmem:s0+$0x9070] =	vst v0  }
0xcd: {  	[tilespmem:s0+$0x9400] =	vst v0  }
0xce: {  	[tilespmem:s0+$0x9410] =	vst v0  }
0xcf: {  	[tilespmem:s0+$0x9420] =	vst v0  }
0xd0: {  	[tilespmem:s0+$0x9430] =	vst v0  }
0xd1: {  	[tilespmem:s0+$0x9440] =	vst v0  }
0xd2: {  	[tilespmem:s0+$0x9450] =	vst v0  }
0xd3: {  	[tilespmem:s0+$0x9460] =	vst v0  }
0xd4: {  	[tilespmem:s0+$0x9470] =	vst v0  }
0xd5: {  	[tilespmem:s0+$0x9800] =	vst v0  }
0xd6: {  	[tilespmem:s0+$0x9810] =	vst v0  }
0xd7: {  	[tilespmem:s0+$0x9820] =	vst v0  }
0xd8: {  	[tilespmem:s0+$0x9830] =	vst v0  }
0xd9: {  	[tilespmem:s0+$0x9840] =	vst v0  }
0xda: {  	[tilespmem:s0+$0x9850] =	vst v0  }
0xdb: {  	[tilespmem:s0+$0x9860] =	vst v0  }
0xdc: {  	[tilespmem:s0+$0x9870] =	vst v0  }
0xdd: {  	[tilespmem:s0+$0x9C00] =	vst v0  }
0xde: {  	[tilespmem:s0+$0x9C10] =	vst v0  }
0xdf: {  	[tilespmem:s0+$0x9C20] =	vst v0  }
0xe0: {  	[tilespmem:s0+$0x9C30] =	vst v0  }
0xe1: {  	[tilespmem:s0+$0x9C40] =	vst v0  }
0xe2: {  	[tilespmem:s0+$0x9C50] =	vst v0  }
0xe3: {  	[tilespmem:s0+$0x9C60] =	vst v0  }
0xe4: {  	[tilespmem:s0+$0x9C70] =	vst v0  }
0xe5: {  	[tilespmem:s0+$0xA000] =	vst v0  }
0xe6: {  	[tilespmem:s0+$0xA010] =	vst v0  }
0xe7: {  	[tilespmem:s0+$0xA020] =	vst v0  }
0xe8: {  	[tilespmem:s0+$0xA030] =	vst v0  }
0xe9: {  	[tilespmem:s0+$0xA040] =	vst v0  }
0xea: {  	[tilespmem:s0+$0xA050] =	vst v0  }
0xeb: {  	[tilespmem:s0+$0xA060] =	vst v0  }
0xec: {  	[tilespmem:s0+$0xA070] =	vst v0  }
0xed: {  	[tilespmem:s0+$0xA400] =	vst v0  }
0xee: {  	[tilespmem:s0+$0xA410] =	vst v0  }
0xef: {  	[tilespmem:s0+$0xA420] =	vst v0  }
0xf0: {  	[tilespmem:s0+$0xA430] =	vst v0  }
0xf1: {  	[tilespmem:s0+$0xA440] =	vst v0  }
0xf2: {  	[tilespmem:s0+$0xA450] =	vst v0  }
0xf3: {  	[tilespmem:s0+$0xA460] =	vst v0  }
0xf4: {  	[tilespmem:s0+$0xA470] =	vst v0  }
0xf5: {  	[tilespmem:s0+$0xA800] =	vst v0  }
0xf6: {  	[tilespmem:s0+$0xA810] =	vst v0  }
0xf7: {  	[tilespmem:s0+$0xA820] =	vst v0  }
0xf8: {  	[tilespmem:s0+$0xA830] =	vst v0  }
0xf9: {  	[tilespmem:s0+$0xA840] =	vst v0  }
0xfa: {  	[tilespmem:s0+$0xA850] =	vst v0  }
0xfb: {  	[tilespmem:s0+$0xA860] =	vst v0  }
0xfc: {  	[tilespmem:s0+$0xA870] =	vst v0  }
0xfd: {  	[tilespmem:s0+$0xAC00] =	vst v0  }
0xfe: {  	[tilespmem:s0+$0xAC10] =	vst v0  }
0xff: {  	[tilespmem:s0+$0xAC20] =	vst v0  }
0x100: {  	[tilespmem:s0+$0xAC30] =	vst v0  }
0x101: {  	[tilespmem:s0+$0xAC40] =	vst v0  }
0x102: {  	[tilespmem:s0+$0xAC50] =	vst v0  }
0x103: {  	[tilespmem:s0+$0xAC60] =	vst v0  }
0x104: {  	[tilespmem:s0+$0xAC70] =	vst v0  }
0x105: {  	[tilespmem:s0+$0xB000] =	vst v0  }
0x106: {  	[tilespmem:s0+$0xB010] =	vst v0  }
0x107: {  	[tilespmem:s0+$0xB020] =	vst v0  }
0x108: {  	[tilespmem:s0+$0xB030] =	vst v0  }
0x109: {  	[tilespmem:s0+$0xB040] =	vst v0  }
0x10a: {  	[tilespmem:s0+$0xB050] =	vst v0  }
0x10b: {  	[tilespmem:s0+$0xB060] =	vst v0  }
0x10c: {  	[tilespmem:s0+$0xB070] =	vst v0  }
0x10d: {  	[tilespmem:s0+$0xB400] =	vst v0  }
0x10e: {  	[tilespmem:s0+$0xB410] =	vst v0  }
0x10f: {  	[tilespmem:s0+$0xB420] =	vst v0  }
0x110: {  	[tilespmem:s0+$0xB430] =	vst v0  }
0x111: {  	s1 =	sand.u32 $0x7, s28;
	[tilespmem:s0+$0xB440] =	vst v0  }
0x112: {  	s1 =	sshll.u32 s1, $0x7;
	[tilespmem:s0+$0xB450] =	vst v0  }
0x113: {  	[tilespmem:s0+$0xB460] =	vst v0;
	s1 =	sadd.s32 s1, s30  }
0x114: {  	[tilespmem:s0+$0xB470] =	vst v0;
	s0 =	sor.u32 $0x3800, s1  }
0x115: {  	[tilespmem:s0+$0x8000] =	vst v0;
	s0 =	sor.u32 $0x3810, s1  }
0x116: {  	[tilespmem:s0+$0x8000] =	vst v0;
	s0 =	sor.u32 $0x3820, s1  }
0x117: {  	[tilespmem:s0+$0x8000] =	vst v0;
	s0 =	sor.u32 $0x3830, s1  }
0x118: {  	[tilespmem:s0+$0x8000] =	vst v0;
	s0 =	sor.u32 $0x3840, s1  }
0x119: {  	[tilespmem:s0+$0x8000] =	vst v0;
	s0 =	sor.u32 $0x3850, s1  }
0x11a: {  	[tilespmem:s0+$0x8000] =	vst v0;
	s0 =	sor.u32 $0x3860, s1  }
0x11b: {  	[tilespmem:s0+$0x8000] =	vst v0;
	s0 =	sor.u32 $0x3870, s1  }
0x11c: {  	[tilespmem:s0+$0x8000] =	vst v0;
	s0 =	sor.u32 $0x3C00, s1  }
0x11d: {  	[tilespmem:s0+$0x8000] =	vst v0;
	s0 =	sor.u32 $0x3C10, s1  }
0x11e: {  	[tilespmem:s0+$0x8000] =	vst v0;
	s0 =	sor.u32 $0x3C20, s1  }
0x11f: {  	p0 =	sne.s32 s31, $0x780;
	[tilespmem:s0+$0x8000] =	vst v0;
	s0 =	sor.u32 $0x3C30, s1  }
.Ltmp1:
0x120: {  	[tilespmem:s0+$0x8000] =	vst v0;
	s0 =	sor.u32 $0x3C40, s1;
	(pc) =	sbr.rel @p0 .LBB2_4-.Ltmp1, $4  }
0x121: {  	[tilespmem:s0+$0x8000] =	vst v0;
	s0 =	sor.u32 $0x3C50, s1  }
0x122: {  	[tilespmem:s0+$0x8000] =	vst v0;
	s0 =	sor.u32 $0x3C60, s1  }
0x123: {  	s29 =	sadd.s32 $0x800, s29;
	s1 =	sor.u32 $0x3C70, s1;
	[tilespmem:s0+$0x8000] =	vst v0  }
0x124: {  	s31 =	sadd.s32 $0x80, s31;
	s28 =	sadd.s32 $0x1, s28;
	s30 =	sadd.s32 $0x800, s30;
	[tilespmem:s1+$0x8000] =	vst v0  }
0x125: {  	v3 =	vld [tilespmem:s4+$0x10010];
	_ =	sdelay $0x4  }
0x126: {  	v4 =	vshll.u32 v3, $0x3  }
0x127: {  	v3 =	vand.u32 $0x7F, v3;
	v4 =	vand.u32 $0xFFFFFC00, v4  }
0x128: {  	v3 =	vor.u32 v3, v4  }
0x129: {  	v3 =	vadd.s32 v1, v3;
	_ =	sdelay $0x4  }
0x12a: {  	[tilespmem:v3+s24+$0x0] =	vst.idx.msk $0xffff, v2  }
0x12b: {  	[hbm4b:s6+s2] =	stream.linear.scatter [tilespmem:s24], [sflag:$0x2], $0x8000, $0x38;
	[tilespmem:$0x10400] =	vst v63  }
0x12c: {  	_ =	swait.ge [sflag:s25], $0x8000  }
0x12d: {  	[sflag:s25] =	ssyncset.done $0x0  }
0x12e: {  	[sflag:s25] =	ssyncadd.s32 $0xFFFF8000  }
0x12f: {  	v3 =	vld [tilespmem:s4+$0x10000];
	_ =	sdelay $0x4  }
0x130: {  	v36 =	vshll.u32 v3, $0x3  }
0x131: {  	v3 =	vand.u32 $0x7F, v3;
	v4 =	vand.u32 $0xFFFFFC00, v36  }
0x132: {  	v3 =	vor.u32 v3, v4  }
0x133: {  	v3 =	vadd.s32 v1, v3;
	_ =	sdelay $0x4  }
0x134: {  	[tilespmem:v3+s2+$0x0] =	vst.idx.msk $0xffff, v0  }
0x135: {  	v3 =	vld [tilespmem:s4+$0x10020];
	_ =	sdelay $0x4  }
0x136: {  	v37 =	vshll.u32 v3, $0x3  }
0x137: {  	v3 =	vand.u32 $0x7F, v3;
	v4 =	vand.u32 $0xFFFFFC00, v37  }
0x138: {  	v3 =	vor.u32 v3, v4  }
0x139: {  	v3 =	vadd.s32 v1, v3;
	_ =	sdelay $0x4  }
0x13a: {  	[tilespmem:v3+s2+$0x0] =	vst.idx.msk $0xffff, v2  }
0x13b: {  	[hbm4b:s7+s2] =	stream.linear.scatter [tilespmem:s2], [sflag:$0x1], $0x8000, $0x38;
	[tilespmem:$0x10400] =	vst v63  }
0x13c: {  	_ =	swait.ge [sflag:s23], $0x8000  }
0x13d: {  	[sflag:s23] =	ssyncset.done $0x0  }
0x13e: {  	[sflag:s23] =	ssyncadd.s32 $0xFFFF8000  }
0x13f: {  	v3 =	vld [tilespmem:s4+$0x10010];
	_ =	sdelay $0x4  }
0x140: {  	v38 =	vshll.u32 v3, $0x3  }
0x141: {  	v3 =	vand.u32 $0x7F, v3;
	v4 =	vand.u32 $0xFFFFFC00, v38  }
0x142: {  	v3 =	vor.u32 v3, v4  }
0x143: {  	v3 =	vadd.s32 v1, v3;
	_ =	sdelay $0x4  }
0x144: {  	[tilespmem:v3+s24+$0x0] =	vst.idx.msk $0xffff, v0  }
0x145: {  	v3 =	vld [tilespmem:s4+$0x10030];
	_ =	sdelay $0x4  }
0x146: {  	v39 =	vshll.u32 v3, $0x3  }
0x147: {  	v3 =	vand.u32 $0x7F, v3;
	v4 =	vand.u32 $0xFFFFFC00, v39  }
0x148: {  	v3 =	vor.u32 v3, v4  }
0x149: {  	v3 =	vadd.s32 v1, v3;
	_ =	sdelay $0x4  }
0x14a: {  	[tilespmem:v3+s24+$0x0] =	vst.idx.msk $0xffff, v2  }
0x14b: {  	[hbm4b:s8+s2] =	stream.linear.scatter [tilespmem:s24], [sflag:$0x2], $0x8000, $0x38;
	[tilespmem:$0x10400] =	vst v63  }
0x14c: {  	_ =	swait.ge [sflag:s25], $0x8000  }
0x14d: {  	[sflag:s25] =	ssyncset.done $0x0  }
0x14e: {  	[sflag:s25] =	ssyncadd.s32 $0xFFFF8000  }
0x14f: {  	v3 =	vld [tilespmem:s4+$0x10020];
	_ =	sdelay $0x4  }
0x150: {  	v40 =	vshll.u32 v3, $0x3  }
0x151: {  	v3 =	vand.u32 $0x7F, v3;
	v4 =	vand.u32 $0xFFFFFC00, v40  }
0x152: {  	v3 =	vor.u32 v3, v4  }
0x153: {  	v3 =	vadd.s32 v1, v3;
	_ =	sdelay $0x4  }
0x154: {  	[tilespmem:v3+s2+$0x0] =	vst.idx.msk $0xffff, v0  }
0x155: {  	v3 =	vld [tilespmem:s4+$0x10040];
	_ =	sdelay $0x4  }
0x156: {  	v41 =	vshll.u32 v3, $0x3  }
0x157: {  	v3 =	vand.u32 $0x7F, v3;
	v4 =	vand.u32 $0xFFFFFC00, v41  }
0x158: {  	v3 =	vor.u32 v3, v4  }
0x159: {  	v3 =	vadd.s32 v1, v3;
	_ =	sdelay $0x4  }
0x15a: {  	[tilespmem:v3+s2+$0x0] =	vst.idx.msk $0xffff, v2  }
0x15b: {  	[hbm4b:s9+s2] =	stream.linear.scatter [tilespmem:s2], [sflag:$0x1], $0x8000, $0x38;
	[tilespmem:$0x10400] =	vst v63  }
0x15c: {  	_ =	swait.ge [sflag:s23], $0x8000  }
0x15d: {  	[sflag:s23] =	ssyncset.done $0x0  }
0x15e: {  	[sflag:s23] =	ssyncadd.s32 $0xFFFF8000  }
0x15f: {  	v3 =	vld [tilespmem:s4+$0x10030];
	_ =	sdelay $0x4  }
0x160: {  	v42 =	vshll.u32 v3, $0x3  }
0x161: {  	v3 =	vand.u32 $0x7F, v3;
	v4 =	vand.u32 $0xFFFFFC00, v42  }
0x162: {  	v3 =	vor.u32 v3, v4  }
0x163: {  	v3 =	vadd.s32 v1, v3;
	_ =	sdelay $0x4  }
0x164: {  	[tilespmem:v3+s24+$0x0] =	vst.idx.msk $0xffff, v0  }
0x165: {  	v3 =	vld [tilespmem:s4+$0x10050];
	_ =	sdelay $0x4  }
0x166: {  	v43 =	vshll.u32 v3, $0x3  }
0x167: {  	v3 =	vand.u32 $0x7F, v3;
	v4 =	vand.u32 $0xFFFFFC00, v43  }
0x168: {  	v3 =	vor.u32 v3, v4  }
0x169: {  	v3 =	vadd.s32 v1, v3;
	_ =	sdelay $0x4  }
0x16a: {  	[tilespmem:v3+s24+$0x0] =	vst.idx.msk $0xffff, v2  }
0x16b: {  	[hbm4b:s10+s2] =	stream.linear.scatter [tilespmem:s24], [sflag:$0x2], $0x8000, $0x38;
	[tilespmem:$0x10400] =	vst v63  }
0x16c: {  	_ =	swait.ge [sflag:s25], $0x8000  }
0x16d: {  	[sflag:s25] =	ssyncset.done $0x0  }
0x16e: {  	[sflag:s25] =	ssyncadd.s32 $0xFFFF8000  }
0x16f: {  	v3 =	vld [tilespmem:s4+$0x10040];
	_ =	sdelay $0x4  }
0x170: {  	v44 =	vshll.u32 v3, $0x3  }
0x171: {  	v3 =	vand.u32 $0x7F, v3;
	v4 =	vand.u32 $0xFFFFFC00, v44  }
0x172: {  	v3 =	vor.u32 v3, v4  }
0x173: {  	v3 =	vadd.s32 v1, v3;
	_ =	sdelay $0x4  }
0x174: {  	[tilespmem:v3+s2+$0x0] =	vst.idx.msk $0xffff, v0  }
0x175: {  	v3 =	vld [tilespmem:s4+$0x10060];
	_ =	sdelay $0x4  }
0x176: {  	v45 =	vshll.u32 v3, $0x3  }
0x177: {  	v3 =	vand.u32 $0x7F, v3;
	v4 =	vand.u32 $0xFFFFFC00, v45  }
0x178: {  	v3 =	vor.u32 v3, v4  }
0x179: {  	v3 =	vadd.s32 v1, v3;
	_ =	sdelay $0x4  }
0x17a: {  	[tilespmem:v3+s2+$0x0] =	vst.idx.msk $0xffff, v2  }
0x17b: {  	[hbm4b:s11+s2] =	stream.linear.scatter [tilespmem:s2], [sflag:$0x1], $0x8000, $0x38;
	[tilespmem:$0x10400] =	vst v63  }
0x17c: {  	_ =	swait.ge [sflag:s23], $0x8000  }
0x17d: {  	[sflag:s23] =	ssyncset.done $0x0  }
0x17e: {  	[sflag:s23] =	ssyncadd.s32 $0xFFFF8000  }
0x17f: {  	v3 =	vld [tilespmem:s4+$0x10050];
	_ =	sdelay $0x4  }
0x180: {  	v46 =	vshll.u32 v3, $0x3  }
0x181: {  	v3 =	vand.u32 $0x7F, v3;
	v4 =	vand.u32 $0xFFFFFC00, v46  }
0x182: {  	v3 =	vor.u32 v3, v4  }
0x183: {  	v3 =	vadd.s32 v1, v3;
	_ =	sdelay $0x4  }
0x184: {  	[tilespmem:v3+s24+$0x0] =	vst.idx.msk $0xffff, v0  }
0x185: {  	v3 =	vld [tilespmem:s4+$0x10070];
	_ =	sdelay $0x4  }
0x186: {  	v47 =	vshll.u32 v3, $0x3  }
0x187: {  	v3 =	vand.u32 $0x7F, v3;
	v4 =	vand.u32 $0xFFFFFC00, v47  }
0x188: {  	v3 =	vor.u32 v3, v4  }
0x189: {  	v3 =	vadd.s32 v1, v3;
	_ =	sdelay $0x4  }
0x18a: {  	[tilespmem:v3+s24+$0x0] =	vst.idx.msk $0xffff, v2  }
0x18b: {  	[hbm4b:s12+s2] =	stream.linear.scatter [tilespmem:s24], [sflag:$0x2], $0x8000, $0x38;
	[tilespmem:$0x10400] =	vst v63  }
0x18c: {  	_ =	swait.ge [sflag:s25], $0x8000  }
0x18d: {  	[sflag:s25] =	ssyncset.done $0x0  }
0x18e: {  	[sflag:s25] =	ssyncadd.s32 $0xFFFF8000  }
0x18f: {  	v3 =	vld [tilespmem:s4+$0x10060];
	_ =	sdelay $0x4  }
0x190: {  	v48 =	vshll.u32 v3, $0x3  }
0x191: {  	v3 =	vand.u32 $0x7F, v3;
	v4 =	vand.u32 $0xFFFFFC00, v48  }
0x192: {  	v3 =	vor.u32 v3, v4  }
0x193: {  	v3 =	vadd.s32 v1, v3;
	_ =	sdelay $0x4  }
0x194: {  	[tilespmem:v3+s2+$0x0] =	vst.idx.msk $0xffff, v0  }
0x195: {  	v3 =	vld [tilespmem:s4+$0x10200];
	_ =	sdelay $0x4  }
0x196: {  	v49 =	vshll.u32 v3, $0x3  }
0x197: {  	v3 =	vand.u32 $0x7F, v3;
	v4 =	vand.u32 $0xFFFFFC00, v49  }
0x198: {  	v3 =	vor.u32 v3, v4  }
0x199: {  	v3 =	vadd.s32 v1, v3;
	_ =	sdelay $0x4  }
0x19a: {  	[tilespmem:v3+s2+$0x0] =	vst.idx.msk $0xffff, v2  }
0x19b: {  	[hbm4b:s13+s2] =	stream.linear.scatter [tilespmem:s2], [sflag:$0x1], $0x8000, $0x38;
	[tilespmem:$0x10400] =	vst v63  }
0x19c: {  	_ =	swait.ge [sflag:s23], $0x8000  }
0x19d: {  	[sflag:s23] =	ssyncset.done $0x0  }
0x19e: {  	[sflag:s23] =	ssyncadd.s32 $0xFFFF8000  }
0x19f: {  	v3 =	vld [tilespmem:s4+$0x10070];
	_ =	sdelay $0x4  }
0x1a0: {  	v50 =	vshll.u32 v3, $0x3  }
0x1a1: {  	v3 =	vand.u32 $0x7F, v3;
	v4 =	vand.u32 $0xFFFFFC00, v50  }
0x1a2: {  	v3 =	vor.u32 v3, v4  }
0x1a3: {  	v3 =	vadd.s32 v1, v3;
	_ =	sdelay $0x4  }
0x1a4: {  	[tilespmem:v3+s24+$0x0] =	vst.idx.msk $0xffff, v0  }
0x1a5: {  	v3 =	vld [tilespmem:s4+$0x10210];
	_ =	sdelay $0x4  }
0x1a6: {  	v51 =	vshll.u32 v3, $0x3  }
0x1a7: {  	v3 =	vand.u32 $0x7F, v3;
	v4 =	vand.u32 $0xFFFFFC00, v51  }
0x1a8: {  	v3 =	vor.u32 v3, v4  }
0x1a9: {  	v3 =	vadd.s32 v1, v3;
	_ =	sdelay $0x4  }
0x1aa: {  	[tilespmem:v3+s24+$0x0] =	vst.idx.msk $0xffff, v2  }
0x1ab: {  	[hbm4b:s14+s2] =	stream.linear.scatter [tilespmem:s24], [sflag:$0x2], $0x8000, $0x38;
	[tilespmem:$0x10400] =	vst v63  }
0x1ac: {  	_ =	swait.ge [sflag:s25], $0x8000  }
0x1ad: {  	[sflag:s25] =	ssyncset.done $0x0  }
0x1ae: {  	[sflag:s25] =	ssyncadd.s32 $0xFFFF8000  }
0x1af: {  	v3 =	vld [tilespmem:s4+$0x10200];
	_ =	sdelay $0x4  }
0x1b0: {  	v52 =	vshll.u32 v3, $0x3  }
0x1b1: {  	v3 =	vand.u32 $0x7F, v3;
	v4 =	vand.u32 $0xFFFFFC00, v52  }
0x1b2: {  	v3 =	vor.u32 v3, v4  }
0x1b3: {  	v3 =	vadd.s32 v1, v3;
	_ =	sdelay $0x4  }
0x1b4: {  	[tilespmem:v3+s2+$0x0] =	vst.idx.msk $0xffff, v0  }
0x1b5: {  	v3 =	vld [tilespmem:s4+$0x10220];
	_ =	sdelay $0x4  }
0x1b6: {  	v53 =	vshll.u32 v3, $0x3  }
0x1b7: {  	v3 =	vand.u32 $0x7F, v3;
	v4 =	vand.u32 $0xFFFFFC00, v53  }
0x1b8: {  	v3 =	vor.u32 v3, v4  }
0x1b9: {  	v3 =	vadd.s32 v1, v3;
	_ =	sdelay $0x4  }
0x1ba: {  	[tilespmem:v3+s2+$0x0] =	vst.idx.msk $0xffff, v2  }
0x1bb: {  	[hbm4b:s15+s2] =	stream.linear.scatter [tilespmem:s2], [sflag:$0x1], $0x8000, $0x38;
	[tilespmem:$0x10400] =	vst v63  }
0x1bc: {  	_ =	swait.ge [sflag:s23], $0x8000  }
0x1bd: {  	[sflag:s23] =	ssyncset.done $0x0  }
0x1be: {  	[sflag:s23] =	ssyncadd.s32 $0xFFFF8000  }
0x1bf: {  	v3 =	vld [tilespmem:s4+$0x10210];
	_ =	sdelay $0x4  }
0x1c0: {  	v54 =	vshll.u32 v3, $0x3  }
0x1c1: {  	v3 =	vand.u32 $0x7F, v3;
	v4 =	vand.u32 $0xFFFFFC00, v54  }
0x1c2: {  	v3 =	vor.u32 v3, v4  }
0x1c3: {  	v3 =	vadd.s32 v1, v3;
	_ =	sdelay $0x4  }
0x1c4: {  	[tilespmem:v3+s24+$0x0] =	vst.idx.msk $0xffff, v0  }
0x1c5: {  	v3 =	vld [tilespmem:s4+$0x10230];
	_ =	sdelay $0x4  }
0x1c6: {  	v55 =	vshll.u32 v3, $0x3  }
0x1c7: {  	v3 =	vand.u32 $0x7F, v3;
	v4 =	vand.u32 $0xFFFFFC00, v55  }
0x1c8: {  	v3 =	vor.u32 v3, v4  }
0x1c9: {  	v3 =	vadd.s32 v1, v3;
	_ =	sdelay $0x4  }
0x1ca: {  	[tilespmem:v3+s24+$0x0] =	vst.idx.msk $0xffff, v2  }
0x1cb: {  	[hbm4b:s16+s2] =	stream.linear.scatter [tilespmem:s24], [sflag:$0x2], $0x8000, $0x38;
	[tilespmem:$0x10400] =	vst v63  }
0x1cc: {  	_ =	swait.ge [sflag:s25], $0x8000  }
0x1cd: {  	[sflag:s25] =	ssyncset.done $0x0  }
0x1ce: {  	[sflag:s25] =	ssyncadd.s32 $0xFFFF8000  }
0x1cf: {  	v3 =	vld [tilespmem:s4+$0x10220];
	_ =	sdelay $0x4  }
0x1d0: {  	v56 =	vshll.u32 v3, $0x3  }
0x1d1: {  	v3 =	vand.u32 $0x7F, v3;
	v4 =	vand.u32 $0xFFFFFC00, v56  }
0x1d2: {  	v3 =	vor.u32 v3, v4  }
0x1d3: {  	v3 =	vadd.s32 v1, v3;
	_ =	sdelay $0x4  }
0x1d4: {  	[tilespmem:v3+s2+$0x0] =	vst.idx.msk $0xffff, v0  }
0x1d5: {  	v3 =	vld [tilespmem:s4+$0x10240];
	_ =	sdelay $0x4  }
0x1d6: {  	v57 =	vshll.u32 v3, $0x3  }
0x1d7: {  	v3 =	vand.u32 $0x7F, v3;
	v4 =	vand.u32 $0xFFFFFC00, v57  }
0x1d8: {  	v3 =	vor.u32 v3, v4  }
0x1d9: {  	v3 =	vadd.s32 v1, v3;
	_ =	sdelay $0x4  }
0x1da: {  	[tilespmem:v3+s2+$0x0] =	vst.idx.msk $0xffff, v2  }
0x1db: {  	[hbm4b:s17+s2] =	stream.linear.scatter [tilespmem:s2], [sflag:$0x1], $0x8000, $0x38;
	[tilespmem:$0x10400] =	vst v63  }
0x1dc: {  	_ =	swait.ge [sflag:s23], $0x8000  }
0x1dd: {  	[sflag:s23] =	ssyncset.done $0x0  }
0x1de: {  	[sflag:s23] =	ssyncadd.s32 $0xFFFF8000  }
0x1df: {  	v3 =	vld [tilespmem:s4+$0x10230];
	_ =	sdelay $0x4  }
0x1e0: {  	v58 =	vshll.u32 v3, $0x3  }
0x1e1: {  	v3 =	vand.u32 $0x7F, v3;
	v4 =	vand.u32 $0xFFFFFC00, v58  }
0x1e2: {  	v3 =	vor.u32 v3, v4  }
0x1e3: {  	v3 =	vadd.s32 v1, v3;
	_ =	sdelay $0x4  }
0x1e4: {  	[tilespmem:v3+s24+$0x0] =	vst.idx.msk $0xffff, v0  }
0x1e5: {  	v3 =	vld [tilespmem:s4+$0x10250];
	_ =	sdelay $0x4  }
0x1e6: {  	v59 =	vshll.u32 v3, $0x3  }
0x1e7: {  	v3 =	vand.u32 $0x7F, v3;
	v4 =	vand.u32 $0xFFFFFC00, v59  }
0x1e8: {  	v3 =	vor.u32 v3, v4  }
0x1e9: {  	v3 =	vadd.s32 v1, v3;
	_ =	sdelay $0x4  }
0x1ea: {  	[tilespmem:v3+s24+$0x0] =	vst.idx.msk $0xffff, v2  }
0x1eb: {  	[hbm4b:s18+s2] =	stream.linear.scatter [tilespmem:s24], [sflag:$0x2], $0x8000, $0x38;
	[tilespmem:$0x10400] =	vst v63  }
0x1ec: {  	_ =	swait.ge [sflag:s25], $0x8000  }
0x1ed: {  	[sflag:s25] =	ssyncset.done $0x0  }
0x1ee: {  	[sflag:s25] =	ssyncadd.s32 $0xFFFF8000  }
0x1ef: {  	v3 =	vld [tilespmem:s4+$0x10240];
	_ =	sdelay $0x4  }
0x1f0: {  	v60 =	vshll.u32 v3, $0x3  }
0x1f1: {  	v3 =	vand.u32 $0x7F, v3;
	v4 =	vand.u32 $0xFFFFFC00, v60  }
0x1f2: {  	v3 =	vor.u32 v3, v4  }
0x1f3: {  	v3 =	vadd.s32 v1, v3;
	_ =	sdelay $0x4  }
0x1f4: {  	[tilespmem:v3+s2+$0x0] =	vst.idx.msk $0xffff, v0  }
0x1f5: {  	v3 =	vld [tilespmem:s4+$0x10260];
	_ =	sdelay $0x4  }
0x1f6: {  	v61 =	vshll.u32 v3, $0x3  }
0x1f7: {  	v3 =	vand.u32 $0x7F, v3;
	v4 =	vand.u32 $0xFFFFFC00, v61  }
0x1f8: {  	v3 =	vor.u32 v3, v4  }
0x1f9: {  	v3 =	vadd.s32 v1, v3;
	_ =	sdelay $0x4  }
0x1fa: {  	[tilespmem:v3+s2+$0x0] =	vst.idx.msk $0xffff, v2  }
0x1fb: {  	[hbm4b:s19+s2] =	stream.linear.scatter [tilespmem:s2], [sflag:$0x1], $0x8000, $0x38;
	[tilespmem:$0x10400] =	vst v63  }
0x1fc: {  	_ =	swait.ge [sflag:s23], $0x8000  }
0x1fd: {  	[sflag:s23] =	ssyncset.done $0x0  }
0x1fe: {  	[sflag:s23] =	ssyncadd.s32 $0xFFFF8000  }
0x1ff: {  	v3 =	vld [tilespmem:s4+$0x10250];
	_ =	sdelay $0x4  }
0x200: {  	v62 =	vshll.u32 v3, $0x3  }
0x201: {  	v3 =	vand.u32 $0x7F, v3;
	v4 =	vand.u32 $0xFFFFFC00, v62  }
0x202: {  	v3 =	vor.u32 v3, v4  }
0x203: {  	v3 =	vadd.s32 v1, v3;
	_ =	sdelay $0x4  }
0x204: {  	[tilespmem:v3+s24+$0x0] =	vst.idx.msk $0xffff, v0  }
0x205: {  	v3 =	vld [tilespmem:s4+$0x10270];
	_ =	sdelay $0x4  }
0x206: {  	v63 =	vshll.u32 v3, $0x3  }
0x207: {  	v3 =	vand.u32 $0x7F, v3;
	v4 =	vand.u32 $0xFFFFFC00, v63  }
0x208: {  	v3 =	vor.u32 v3, v4  }
0x209: {  	v3 =	vadd.s32 v1, v3;
	_ =	sdelay $0x4  }
0x20a: {  	s26 =	sadd.s32 $0x1, s26;
	[tilespmem:v3+s24+$0x0] =	vst.idx.msk $0xffff, v2  }
0x20b: {  	[hbm4b:s20+s2] =	stream.linear.scatter [tilespmem:s24], [sflag:$0x2], $0x8000, $0x38;
	[tilespmem:$0x10400] =	vst v63  }
0x20c: {  	p0 =	sne.s32 s26, s21;
	_ =	swait.ge [sflag:s25], $0x8000  }
.Ltmp2:
0x20d: {  	[sflag:s25] =	ssyncset.done $0x0;
	(pc) =	sbr.rel @p0 .LBB2_1-.Ltmp2, $4  }
0x20e: {  	[sflag:s25] =	ssyncadd.s32 $0xFFFF8000  }
0x20f: {  	_ =	swait.ge [sflag:s23], $0x8000  }
0x210: {  	[sflag:s23] =	ssyncset.done $0x0  }
0x211: {  	[sflag:s23] =	ssyncadd.s32 $0xFFFF8000  }
0x212: {  	_ =	sfence.sel $0x180000  }
0x213: {  	[bflag:$0x0] =	sbarrier.arrive $0xFFFF  }
0x214: {  	_ =	strace $0x90000047  }
0x215: {  	s0 =	stileid.u32;
	[bflag:$0x2] =	sbarrier.arrive $0xFFFF  }
0x216: {  	p0 =	sne.s32 s0, $0x0;
	s0 =	rddreg [dreg:$0x2]  }
0x217: {  	s0 =	sadd.s32 @!p0 $0x100000, s0  }
0x218: {  	[sflag:s0] =	ssyncadd.tile.s32 @!p0 $0x1;
	_ =	shalt  }
.Lfunc_end2:
_tile_overlayer_lowered:
.L_overlay_start_2:
0x219: {  	(tag) =	ssettag $0x2  }
0x21a: {  	s0 =	rddreg [dreg:$0x0];
	s2 =	stileid.u32  }
0x21b: {  	s1 =	rddreg [dreg:$0x1];
	p0 =	sne.s32 s2, $0x0  }
0x21c: {  	s3 =	rddreg [dreg:$0x2];
	[bflag:$0x3] =	sbarrier.arrive $0xFFFF;
	s2 =	simm.s32 @!p0 $0x1C03  }
0x21d: {  	[timem:s3], [sflag:s2] =	dma.local @!p0 [hbm:s0], s1  }
0x21e: {  	s0 =	simm.s32 @!p0 $0x3  }
0x21f: {  	_ =	swait.ge @!p0 [sflag:s0], s1  }
0x220: {  	s1 =	ssub.s32 @!p0 $0x0, s1;
	[sflag:s0] =	ssyncset.done @!p0 $0x0  }
0x221: {  	[sflag:s0] =	ssyncadd.s32 @!p0 s1  }
0x222: {  	[bflag:$0x3] =	sbarrier.arrive $0xFFFF  }
0x223: {  	_ =	shalt  }

</sc_bundles>
